<compile_context>
chip_gen: v7x
topology: tpu7x:2x2x1
jax: 0.10.2.dev20260603
libtpu: 0.0.44.dev20260713+nightly
codegen_flags: <defaults>
</compile_context>

<pallas_src>
import jax
import jax.numpy as jnp
from jax import lax
from jax.experimental import pallas as pl
from jax.experimental.pallas import tpu as pltpu
from jax.experimental.pallas import tpu_sc as plsc

_VOCAB = 1000000
_DIM = 64
_ABLK = 8192
_N1 = 62 * _ABLK
_NC = 2
_NS = 16
_NW = _NC * _NS
_CHUNK = 256
_NBUF = 4
_PAIR = 8192


def _eye64():
    r = lax.broadcasted_iota(jnp.int32, (_DIM, _DIM), 0)
    c = lax.broadcasted_iota(jnp.int32, (_DIM, _DIM), 1)
    return (r == c).astype(jnp.float32)



def _table_relayout_body(left_ref, right_ref, t2_ref):
    eye = _eye64()

    def tr(x):
        return lax.dot_general(x, eye, (((0,), (0,)), ((), ())),
                               preferred_element_type=jnp.float32)

    t2_ref[...] = jnp.concatenate(
        [tr(left_ref[...]), tr(right_ref[...])], axis=1)


def _relayout_table(tT):
    grid = _N1 // _ABLK
    last = _VOCAB // _ABLK
    return pl.pallas_call(
        _table_relayout_body,
        grid=(grid,),
        in_specs=[
            pl.BlockSpec((_DIM, _ABLK), lambda g: (0, g)),
            pl.BlockSpec((_DIM, _ABLK), lambda g: (0, jnp.minimum(grid + g, last))),
        ],
        out_specs=pl.BlockSpec((_ABLK, 2 * _DIM), lambda g: (g, 0)),
        out_shape=jax.ShapeDtypeStruct((_N1, 2 * _DIM), jnp.float32),
    )(tT, tT)



def _emb_body(x_hbm, table_hbm, out_hbm, idx_lr, tidx, rows, sems):
    wid = lax.axis_index("s") * _NC + lax.axis_index("c")
    n2 = x_hbm.shape[1]
    r_per_w = n2 // _NW
    rbase = wid * r_per_w

    pltpu.sync_copy(x_hbm.at[0, pl.ds(rbase, r_per_w)],
                    idx_lr.at[pl.ds(0, r_per_w)])
    pltpu.sync_copy(x_hbm.at[1, pl.ds(rbase, r_per_w)],
                    idx_lr.at[pl.ds(r_per_w, r_per_w)])

    lane = lax.broadcasted_iota(jnp.int32, (16,), 0)

    @pl.loop(0, r_per_w // 16)
    def _ilv(k):
        vl = idx_lr[pl.ds(k * 16, 16)]
        vr = idx_lr[pl.ds(r_per_w + k * 16, 16)]
        pos = 32 * k + 2 * lane
        plsc.store_scatter(tidx, [pos], vl)
        plsc.store_scatter(tidx, [pos + 1], vr)

    base = wid * 2 * r_per_w
    nsteps = (2 * r_per_w) // _CHUNK
    ngroups = nsteps // _NBUF

    def start_gather(step, b):
        pltpu.async_copy(
            table_hbm.at[tidx.at[pl.ds(step * _CHUNK, _CHUNK)]],
            rows[b], sems[b])

    def wait_gather(step, b):
        pltpu.make_async_copy(
            table_hbm.at[tidx.at[pl.ds(step * _CHUNK, _CHUNK)]],
            rows[b], sems[b]).wait()

    def write_out(step, b):
        pltpu.sync_copy(rows[b], out_hbm.at[pl.ds(base + step * _CHUNK, _CHUNK)])

    for b in range(_NBUF):
        start_gather(b, b)

    @pl.loop(0, ngroups - 1)
    def _group(g):
        for b in range(_NBUF):
            i = g * _NBUF + b
            wait_gather(i, b)
            write_out(i, b)
            start_gather(i + _NBUF, b)

    for b in range(_NBUF):
        i = (ngroups - 1) * _NBUF + b
        wait_gather(i, b)
        write_out(i, b)


def _gather_rows(xf2, table_lin, n):
    r_per_w = (n // 2) // _NW
    mesh = plsc.VectorSubcoreMesh(core_axis_name="c", subcore_axis_name="s")
    k = pl.kernel(
        _emb_body,
        out_type=jax.ShapeDtypeStruct((n, _DIM), jnp.float32),
        mesh=mesh,
        scratch_types=[
            pltpu.VMEM((2 * r_per_w,), jnp.int32),
            pltpu.VMEM((2 * r_per_w,), jnp.int32),
            [pltpu.VMEM((_CHUNK, _DIM), jnp.float32) for _ in range(_NBUF)],
            [pltpu.SemaphoreType.DMA for _ in range(_NBUF)],
        ],
        compiler_params=pltpu.CompilerParams(use_tc_tiling_on_sc=False,
                                             needs_layout_passes=False),
    )
    return k(xf2, table_lin)



def _out_fold_body(lin_ref, out_ref):
    eye = _eye64()
    a = lin_ref[...]

    def tr(x):
        return lax.dot_general(eye, x, (((0,), (1,)), ((), ())),
                               preferred_element_type=jnp.float32)

    out_ref[0] = jnp.concatenate([tr(a[:, :_DIM]), tr(a[:, _DIM:])], axis=1)


def _fold_output(lin2, B, L):
    ng = B // (2 * _PAIR)
    return pl.pallas_call(
        _out_fold_body,
        grid=(L, ng),
        in_specs=[pl.BlockSpec((_PAIR, 128), lambda l, g: (l * ng + g, 0))],
        out_specs=pl.BlockSpec((1, _DIM, 2 * _PAIR), lambda l, g: (l, 0, g)),
        out_shape=jax.ShapeDtypeStruct((L, _DIM, B), jnp.float32),
    )(lin2)


def kernel(x, table):
    B, L = x.shape
    n = B * L
    ng = B // (2 * _PAIR)
    xt = x.T.astype(jnp.int32)
    m = (xt - _N1) >> 31
    xv = 2 * xt - (2 * _N1 - 1) * (m + 1)
    xf2 = xv.reshape(L, ng, 2, _PAIR).transpose(2, 0, 1, 3).reshape(2, n // 2)
    t2 = _relayout_table(table.T)
    table_lin = t2.reshape(2 * _N1, _DIM)
    lin = _gather_rows(xf2, table_lin, n)
    lin2 = lin.reshape(n // 2, 2 * _DIM)
    folded = _fold_output(lin2, B, L)
    return jnp.transpose(folded, (2, 0, 1))

# --- scband reference (transcript-rebuilt; emitter-appended) ---
"""Pipeline reference for scband-token-embedding-59751585022125 (READ-ONLY COPY).

The authoritative reference and input builder live on the scoring server;
editing this copy changes nothing except your own understanding.
"""

import jax, jax.numpy as jnp
import numpy as np

VOCAB = 1000000
DIM = 64
B = 16384
L = 50

def setup_inputs(seed: int = 0) -> dict:
    key = jax.random.key(seed)
    k1, k2 = jax.random.split(key)
    x = jax.random.randint(k1, (B, L), 0, VOCAB, dtype=jnp.int64) if jax.config.jax_enable_x64 else jax.random.randint(k1, (B, L), 0, VOCAB, dtype=jnp.int32)
    table = jax.random.normal(k2, (VOCAB, DIM), dtype=jnp.float32)
    return {"x": x, "table": table}

def reference(x, table):
    # nn.Embedding forward: gather rows of the table by index
    return jnp.take(table, x, axis=0)

if __name__ == "__main__":
    import jax
    _d = setup_inputs()
    print(jax.jit(kernel)(*tuple(_d.values())))

</pallas_src>

<mosaic_0001>
#map = affine_map<(d0, d1) -> (0, 0)>
module attributes {stable_mosaic.version = 14 : i64} {
  func.func @_emb_body(%arg0: i32, %arg1: i32, %arg2: memref<2x409600xi32, #tpu.memory_space<hbm>>, %arg3: memref<1015808x64xf32, #tpu.memory_space<hbm>>, %arg4: memref<819200x64xf32, #tpu.memory_space<hbm>>, %arg5: memref<25600xi32, #tpu.memory_space<vmem>>, %arg6: memref<25600xi32, #tpu.memory_space<vmem>>, %arg7: memref<256x64xf32, #tpu.memory_space<vmem>>, %arg8: memref<256x64xf32, #tpu.memory_space<vmem>>, %arg9: memref<256x64xf32, #tpu.memory_space<vmem>>, %arg10: memref<256x64xf32, #tpu.memory_space<vmem>>, %arg11: memref<!tpu.dma_semaphore, #tpu.memory_space<semaphore_mem>>, %arg12: memref<!tpu.dma_semaphore, #tpu.memory_space<semaphore_mem>>, %arg13: memref<!tpu.dma_semaphore, #tpu.memory_space<semaphore_mem>>, %arg14: memref<!tpu.dma_semaphore, #tpu.memory_space<semaphore_mem>>) attributes {dimension_semantics = [#tpu.dimension_semantics<core_parallel>, #tpu.dimension_semantics<subcore_parallel>], iteration_bounds = array<i64: 2, 16>, scalar_prefetch = 0 : i64, scratch_operands = 10 : i64, tpu.core_type = #tpu.core_type<sc_vector_subcore>, window_params = [{transform_indices = #map}, {transform_indices = #map}, {transform_indices = #map}]} {
    %mul3A = arith.constant 2 : i32
    %mul3A_0 = arith.muli %arg1, %mul3A : i32
    %add3A = arith.addi %mul3A_0, %arg0 : i32
    %mul3A_1 = arith.constant 12800 : i32
    %mul3A_2 = arith.muli %add3A, %mul3A_1 : i32
    %run_scoped3A = arith.constant 0 : i32
    "tpu.region"() ({
      %run_scoped3A_63 = tpu.sem_alloc : memref<!tpu.dma_semaphore, #tpu.memory_space<semaphore_mem>>
      %dma_start3A_64 = arith.constant 0 : i32
      %dma_start3A_65 = tpu.memref_slice %arg5[%dma_start3A_64] : memref<25600xi32, #tpu.memory_space<vmem>> -> memref<12800xi32, #tpu.memory_space<vmem>>
      %dma_start3A_66 = tpu.memref_slice %arg2[%run_scoped3A, %mul3A_2] : memref<2x409600xi32, #tpu.memory_space<hbm>> -> memref<1x12800xi32, #tpu.memory_space<hbm>>
      %dma_start3A_67 = tpu.memref_squeeze %dma_start3A_66 : memref<1x12800xi32, #tpu.memory_space<hbm>> -> memref<12800xi32, #tpu.memory_space<hbm>>
      %dma_start3A_68 = arith.constant 0 : i32
      %dma_start3A_69 = tpu.memref_slice %arg5[%dma_start3A_68] : memref<25600xi32, #tpu.memory_space<vmem>> -> memref<12800xi32, #tpu.memory_space<vmem>>
      %dma_start3A_70 = tpu.memref_slice %arg2[%run_scoped3A, %mul3A_2] : memref<2x409600xi32, #tpu.memory_space<hbm>> -> memref<1x12800xi32, #tpu.memory_space<hbm>>
      %dma_start3A_71 = tpu.memref_squeeze %dma_start3A_70 : memref<1x12800xi32, #tpu.memory_space<hbm>> -> memref<12800xi32, #tpu.memory_space<hbm>>
      tpu.enqueue_dma source(%dma_start3A_71 : memref<12800xi32, #tpu.memory_space<hbm>>) target(%dma_start3A_69 : memref<12800xi32, #tpu.memory_space<vmem>>) target_semaphore(%run_scoped3A_63 : memref<!tpu.dma_semaphore, #tpu.memory_space<semaphore_mem>>)
      %dma_wait3A_72 = arith.constant 0 : i32
      %dma_wait3A_73 = tpu.memref_slice %arg5[%dma_wait3A_72] : memref<25600xi32, #tpu.memory_space<vmem>> -> memref<12800xi32, #tpu.memory_space<vmem>>
      %dma_wait3A_74 = tpu.memref_slice %arg2[%run_scoped3A, %mul3A_2] : memref<2x409600xi32, #tpu.memory_space<hbm>> -> memref<1x12800xi32, #tpu.memory_space<hbm>>
      %dma_wait3A_75 = tpu.memref_squeeze %dma_wait3A_74 : memref<1x12800xi32, #tpu.memory_space<hbm>> -> memref<12800xi32, #tpu.memory_space<hbm>>
      %dma_wait3A_76 = arith.constant 0 : i32
      %dma_wait3A_77 = tpu.memref_slice %arg5[%dma_wait3A_76] : memref<25600xi32, #tpu.memory_space<vmem>> -> memref<12800xi32, #tpu.memory_space<vmem>>
      %dma_wait3A_78 = tpu.memref_slice %arg2[%run_scoped3A, %mul3A_2] : memref<2x409600xi32, #tpu.memory_space<hbm>> -> memref<1x12800xi32, #tpu.memory_space<hbm>>
      %dma_wait3A_79 = tpu.memref_squeeze %dma_wait3A_78 : memref<1x12800xi32, #tpu.memory_space<hbm>> -> memref<12800xi32, #tpu.memory_space<hbm>>
      tpu.wait_dma2 semaphore(%run_scoped3A_63 : memref<!tpu.dma_semaphore, #tpu.memory_space<semaphore_mem>>) src(%dma_wait3A_79 : memref<12800xi32, #tpu.memory_space<hbm>>) dst(%dma_wait3A_77 : memref<12800xi32, #tpu.memory_space<vmem>>)
      tpu.yield
    }) : () -> ()
    %run_scoped3A_3 = arith.constant 1 : i32
    "tpu.region"() ({
      %run_scoped3A_63 = tpu.sem_alloc : memref<!tpu.dma_semaphore, #tpu.memory_space<semaphore_mem>>
      %dma_start3A_64 = arith.constant 12800 : i32
      %dma_start3A_65 = tpu.memref_slice %arg5[%dma_start3A_64] : memref<25600xi32, #tpu.memory_space<vmem>> -> memref<12800xi32, #tpu.memory_space<vmem>>
      %dma_start3A_66 = tpu.memref_slice %arg2[%run_scoped3A_3, %mul3A_2] : memref<2x409600xi32, #tpu.memory_space<hbm>> -> memref<1x12800xi32, #tpu.memory_space<hbm>>
      %dma_start3A_67 = tpu.memref_squeeze %dma_start3A_66 : memref<1x12800xi32, #tpu.memory_space<hbm>> -> memref<12800xi32, #tpu.memory_space<hbm>>
      %dma_start3A_68 = arith.constant 12800 : i32
      %dma_start3A_69 = tpu.memref_slice %arg5[%dma_start3A_68] : memref<25600xi32, #tpu.memory_space<vmem>> -> memref<12800xi32, #tpu.memory_space<vmem>>
      %dma_start3A_70 = tpu.memref_slice %arg2[%run_scoped3A_3, %mul3A_2] : memref<2x409600xi32, #tpu.memory_space<hbm>> -> memref<1x12800xi32, #tpu.memory_space<hbm>>
      %dma_start3A_71 = tpu.memref_squeeze %dma_start3A_70 : memref<1x12800xi32, #tpu.memory_space<hbm>> -> memref<12800xi32, #tpu.memory_space<hbm>>
      tpu.enqueue_dma source(%dma_start3A_71 : memref<12800xi32, #tpu.memory_space<hbm>>) target(%dma_start3A_69 : memref<12800xi32, #tpu.memory_space<vmem>>) target_semaphore(%run_scoped3A_63 : memref<!tpu.dma_semaphore, #tpu.memory_space<semaphore_mem>>)
      %dma_wait3A_72 = arith.constant 12800 : i32
      %dma_wait3A_73 = tpu.memref_slice %arg5[%dma_wait3A_72] : memref<25600xi32, #tpu.memory_space<vmem>> -> memref<12800xi32, #tpu.memory_space<vmem>>
      %dma_wait3A_74 = tpu.memref_slice %arg2[%run_scoped3A_3, %mul3A_2] : memref<2x409600xi32, #tpu.memory_space<hbm>> -> memref<1x12800xi32, #tpu.memory_space<hbm>>
      %dma_wait3A_75 = tpu.memref_squeeze %dma_wait3A_74 : memref<1x12800xi32, #tpu.memory_space<hbm>> -> memref<12800xi32, #tpu.memory_space<hbm>>
      %dma_wait3A_76 = arith.constant 12800 : i32
      %dma_wait3A_77 = tpu.memref_slice %arg5[%dma_wait3A_76] : memref<25600xi32, #tpu.memory_space<vmem>> -> memref<12800xi32, #tpu.memory_space<vmem>>
      %dma_wait3A_78 = tpu.memref_slice %arg2[%run_scoped3A_3, %mul3A_2] : memref<2x409600xi32, #tpu.memory_space<hbm>> -> memref<1x12800xi32, #tpu.memory_space<hbm>>
      %dma_wait3A_79 = tpu.memref_squeeze %dma_wait3A_78 : memref<1x12800xi32, #tpu.memory_space<hbm>> -> memref<12800xi32, #tpu.memory_space<hbm>>
      tpu.wait_dma2 semaphore(%run_scoped3A_63 : memref<!tpu.dma_semaphore, #tpu.memory_space<semaphore_mem>>) src(%dma_wait3A_79 : memref<12800xi32, #tpu.memory_space<hbm>>) dst(%dma_wait3A_77 : memref<12800xi32, #tpu.memory_space<vmem>>)
      tpu.yield
    }) : () -> ()
    %iota3A = tpu.iota {dimensions = array<i32: 0>} : vector<16xi32>
    %scan3A = arith.constant 0 : i32
    %scan3A_4 = arith.constant 800 : i32
    %scan3A_5 = arith.addi %scan3A, %scan3A_4 : i32
    %scan3A_6 = arith.constant 1 : i32
    scf.for %scan3A_63 = %scan3A to %scan3A_5 step %scan3A_6  : i32 {
      %mul3A_64 = arith.constant 1 : i32
      %mul3A_65 = arith.muli %scan3A_63, %mul3A_64 : i32
      %add3A_66 = arith.constant 0 : i32
      %add3A_67 = arith.addi %add3A_66, %mul3A_65 : i32
      %mul3A_68 = arith.constant 16 : i32
      %mul3A_69 = arith.muli %add3A_67, %mul3A_68 : i32
      %get3A = arith.index_cast %mul3A_69 : i32 to index
      %get3A_70 = tpu.vector_load %arg5[%get3A] {strides = array<i32>} : memref<25600xi32, #tpu.memory_space<vmem>>, vector<16xi32>,
      %mul3A_71 = arith.constant 16 : i32
      %mul3A_72 = arith.muli %add3A_67, %mul3A_71 : i32
      %add3A_73 = arith.constant 12800 : i32
      %add3A_74 = arith.addi %add3A_73, %mul3A_72 : i32
      %get3A_75 = arith.index_cast %add3A_74 : i32 to index
      %get3A_76 = tpu.vector_load %arg5[%get3A_75] {strides = array<i32>} : memref<25600xi32, #tpu.memory_space<vmem>>, vector<16xi32>,
      %mul3A_77 = arith.constant 32 : i32
      %mul3A_78 = arith.muli %mul3A_77, %add3A_67 : i32
      %mul3A_79 = arith.constant 2 : i32
      %mul3A_80 = vector.broadcast %mul3A_79 : i32 to vector<16xi32>
      %mul3A_81 = arith.muli %mul3A_80, %iota3A : vector<16xi32>
      %add3A_82 = vector.broadcast %mul3A_78 : i32 to vector<16xi32>
      %add3A_83 = arith.addi %add3A_82, %mul3A_81 : vector<16xi32>
      tpu.vector_store_idx %arg6[%add3A_83], %get3A_70 : memref<25600xi32, #tpu.memory_space<vmem>>[vector<16xi32>], vector<16xi32>,
      %add3A_84 = arith.constant 1 : i32
      %add3A_85 = vector.broadcast %add3A_84 : i32 to vector<16xi32>
      %add3A_86 = arith.addi %add3A_83, %add3A_85 : vector<16xi32>
      tpu.vector_store_idx %arg6[%add3A_86], %get3A_76 : memref<25600xi32, #tpu.memory_space<vmem>>[vector<16xi32>], vector<16xi32>,
    }
    %scan3A_7 = arith.constant 800 : i32
    %mul3A_8 = arith.constant 2 : i32
    %mul3A_9 = arith.muli %add3A, %mul3A_8 : i32
    %mul3A_10 = arith.constant 12800 : i32
    %mul3A_11 = arith.muli %mul3A_9, %mul3A_10 : i32
    %dma_start3A = arith.constant 0 : i32
    %dma_start3A_12 = tpu.memref_slice %arg6[%dma_start3A] : memref<25600xi32, #tpu.memory_space<vmem>> -> memref<256xi32, #tpu.memory_space<vmem>>
    %dma_start3A_13 = arith.constant 0 : i32
    %dma_start3A_14 = arith.constant 0 : i32
    %dma_start3A_15 = tpu.memref_slice %arg3[%dma_start3A_13, %dma_start3A_14] : memref<1015808x64xf32, #tpu.memory_space<hbm>> -> memref<1015808x64xf32, #tpu.memory_space<hbm>>
    tpu.enqueue_indirect_dma source(%dma_start3A_15 : memref<1015808x64xf32, #tpu.memory_space<hbm>>) target(%arg7 : memref<256x64xf32, #tpu.memory_space<vmem>>) offsets(%dma_start3A_12 : memref<256xi32, #tpu.memory_space<vmem>>) semaphore(%arg11 : memref<!tpu.dma_semaphore, #tpu.memory_space<semaphore_mem>>)
    %dma_start3A_16 = arith.constant 256 : i32
    %dma_start3A_17 = tpu.memref_slice %arg6[%dma_start3A_16] : memref<25600xi32, #tpu.memory_space<vmem>> -> memref<256xi32, #tpu.memory_space<vmem>>
    %dma_start3A_18 = arith.constant 0 : i32
    %dma_start3A_19 = arith.constant 0 : i32
    %dma_start3A_20 = tpu.memref_slice %arg3[%dma_start3A_18, %dma_start3A_19] : memref<1015808x64xf32, #tpu.memory_space<hbm>> -> memref<1015808x64xf32, #tpu.memory_space<hbm>>
    tpu.enqueue_indirect_dma source(%dma_start3A_20 : memref<1015808x64xf32, #tpu.memory_space<hbm>>) target(%arg8 : memref<256x64xf32, #tpu.memory_space<vmem>>) offsets(%dma_start3A_17 : memref<256xi32, #tpu.memory_space<vmem>>) semaphore(%arg12 : memref<!tpu.dma_semaphore, #tpu.memory_space<semaphore_mem>>)
    %dma_start3A_21 = arith.constant 512 : i32
    %dma_start3A_22 = tpu.memref_slice %arg6[%dma_start3A_21] : memref<25600xi32, #tpu.memory_space<vmem>> -> memref<256xi32, #tpu.memory_space<vmem>>
    %dma_start3A_23 = arith.constant 0 : i32
    %dma_start3A_24 = arith.constant 0 : i32
    %dma_start3A_25 = tpu.memref_slice %arg3[%dma_start3A_23, %dma_start3A_24] : memref<1015808x64xf32, #tpu.memory_space<hbm>> -> memref<1015808x64xf32, #tpu.memory_space<hbm>>
    tpu.enqueue_indirect_dma source(%dma_start3A_25 : memref<1015808x64xf32, #tpu.memory_space<hbm>>) target(%arg9 : memref<256x64xf32, #tpu.memory_space<vmem>>) offsets(%dma_start3A_22 : memref<256xi32, #tpu.memory_space<vmem>>) semaphore(%arg13 : memref<!tpu.dma_semaphore, #tpu.memory_space<semaphore_mem>>)
    %dma_start3A_26 = arith.constant 768 : i32
    %dma_start3A_27 = tpu.memref_slice %arg6[%dma_start3A_26] : memref<25600xi32, #tpu.memory_space<vmem>> -> memref<256xi32, #tpu.memory_space<vmem>>
    %dma_start3A_28 = arith.constant 0 : i32
    %dma_start3A_29 = arith.constant 0 : i32
    %dma_start3A_30 = tpu.memref_slice %arg3[%dma_start3A_28, %dma_start3A_29] : memref<1015808x64xf32, #tpu.memory_space<hbm>> -> memref<1015808x64xf32, #tpu.memory_space<hbm>>
    tpu.enqueue_indirect_dma source(%dma_start3A_30 : memref<1015808x64xf32, #tpu.memory_space<hbm>>) target(%arg10 : memref<256x64xf32, #tpu.memory_space<vmem>>) offsets(%dma_start3A_27 : memref<256xi32, #tpu.memory_space<vmem>>) semaphore(%arg14 : memref<!tpu.dma_semaphore, #tpu.memory_space<semaphore_mem>>)
    %scan3A_31 = arith.constant 0 : i32
    %scan3A_32 = arith.constant 24 : i32
    %scan3A_33 = arith.addi %scan3A_31, %scan3A_32 : i32
    %scan3A_34 = arith.constant 1 : i32
    scf.for %scan3A_63 = %scan3A_31 to %scan3A_33 step %scan3A_34  : i32 {
      %mul3A_64 = arith.constant 1 : i32
      %mul3A_65 = arith.muli %scan3A_63, %mul3A_64 : i32
      %add3A_66 = arith.constant 0 : i32
      %add3A_67 = arith.addi %add3A_66, %mul3A_65 : i32
      %mul3A_68 = arith.constant 4 : i32
      %mul3A_69 = arith.muli %add3A_67, %mul3A_68 : i32
      %add3A_70 = arith.constant 0 : i32
      %add3A_71 = arith.addi %mul3A_69, %add3A_70 : i32
      %mul3A_72 = arith.constant 256 : i32
      %mul3A_73 = arith.muli %add3A_71, %mul3A_72 : i32
      %dma_wait3A_74 = tpu.memref_slice %arg6[%mul3A_73] : memref<25600xi32, #tpu.memory_space<vmem>> -> memref<256xi32, #tpu.memory_space<vmem>>
      %dma_wait3A_75 = arith.constant 0 : i32
      %dma_wait3A_76 = arith.constant 0 : i32
      %dma_wait3A_77 = tpu.memref_slice %arg3[%dma_wait3A_75, %dma_wait3A_76] : memref<1015808x64xf32, #tpu.memory_space<hbm>> -> memref<1015808x64xf32, #tpu.memory_space<hbm>>
      tpu.wait_indirect_dma semaphore(%arg11 : memref<!tpu.dma_semaphore, #tpu.memory_space<semaphore_mem>>) src(%dma_wait3A_77 : memref<1015808x64xf32, #tpu.memory_space<hbm>>) dst(%arg7 : memref<256x64xf32, #tpu.memory_space<vmem>>)
      %mul3A_78 = arith.constant 256 : i32
      %mul3A_79 = arith.muli %add3A_71, %mul3A_78 : i32
      %add3A_80 = arith.addi %mul3A_11, %mul3A_79 : i32
      "tpu.region"() ({
        %run_scoped3A_152 = tpu.sem_alloc : memref<!tpu.dma_semaphore, #tpu.memory_space<semaphore_mem>>
        %dma_start3A_153 = arith.constant 0 : i32
        %dma_start3A_154 = tpu.memref_slice %arg4[%add3A_80, %dma_start3A_153] : memref<819200x64xf32, #tpu.memory_space<hbm>> -> memref<256x64xf32, #tpu.memory_space<hbm>>
        %dma_start3A_155 = arith.constant 0 : i32
        %dma_start3A_156 = tpu.memref_slice %arg4[%add3A_80, %dma_start3A_155] : memref<819200x64xf32, #tpu.memory_space<hbm>> -> memref<256x64xf32, #tpu.memory_space<hbm>>
        tpu.enqueue_dma source(%arg7 : memref<256x64xf32, #tpu.memory_space<vmem>>) target(%dma_start3A_156 : memref<256x64xf32, #tpu.memory_space<hbm>>) target_semaphore(%run_scoped3A_152 : memref<!tpu.dma_semaphore, #tpu.memory_space<semaphore_mem>>)
        %dma_wait3A_157 = arith.constant 0 : i32
        %dma_wait3A_158 = tpu.memref_slice %arg4[%add3A_80, %dma_wait3A_157] : memref<819200x64xf32, #tpu.memory_space<hbm>> -> memref<256x64xf32, #tpu.memory_space<hbm>>
        %dma_wait3A_159 = arith.constant 0 : i32
        %dma_wait3A_160 = tpu.memref_slice %arg4[%add3A_80, %dma_wait3A_159] : memref<819200x64xf32, #tpu.memory_space<hbm>> -> memref<256x64xf32, #tpu.memory_space<hbm>>
        tpu.wait_dma2 semaphore(%run_scoped3A_152 : memref<!tpu.dma_semaphore, #tpu.memory_space<semaphore_mem>>) src(%arg7 : memref<256x64xf32, #tpu.memory_space<vmem>>) dst(%dma_wait3A_160 : memref<256x64xf32, #tpu.memory_space<hbm>>)
        tpu.yield
      }) : () -> ()
      %add3A_81 = arith.constant 4 : i32
      %add3A_82 = arith.addi %add3A_71, %add3A_81 : i32
      %mul3A_83 = arith.constant 256 : i32
      %mul3A_84 = arith.muli %add3A_82, %mul3A_83 : i32
      %dma_start3A_85 = tpu.memref_slice %arg6[%mul3A_84] : memref<25600xi32, #tpu.memory_space<vmem>> -> memref<256xi32, #tpu.memory_space<vmem>>
      %dma_start3A_86 = arith.constant 0 : i32
      %dma_start3A_87 = arith.constant 0 : i32
      %dma_start3A_88 = tpu.memref_slice %arg3[%dma_start3A_86, %dma_start3A_87] : memref<1015808x64xf32, #tpu.memory_space<hbm>> -> memref<1015808x64xf32, #tpu.memory_space<hbm>>
      tpu.enqueue_indirect_dma source(%dma_start3A_88 : memref<1015808x64xf32, #tpu.memory_space<hbm>>) target(%arg7 : memref<256x64xf32, #tpu.memory_space<vmem>>) offsets(%dma_start3A_85 : memref<256xi32, #tpu.memory_space<vmem>>) semaphore(%arg11 : memref<!tpu.dma_semaphore, #tpu.memory_space<semaphore_mem>>)
      %mul3A_89 = arith.constant 4 : i32
      %mul3A_90 = arith.muli %add3A_67, %mul3A_89 : i32
      %add3A_91 = arith.constant 1 : i32
      %add3A_92 = arith.addi %mul3A_90, %add3A_91 : i32
      %mul3A_93 = arith.constant 256 : i32
      %mul3A_94 = arith.muli %add3A_92, %mul3A_93 : i32
      %dma_wait3A_95 = tpu.memref_slice %arg6[%mul3A_94] : memref<25600xi32, #tpu.memory_space<vmem>> -> memref<256xi32, #tpu.memory_space<vmem>>
      %dma_wait3A_96 = arith.constant 0 : i32
      %dma_wait3A_97 = arith.constant 0 : i32
      %dma_wait3A_98 = tpu.memref_slice %arg3[%dma_wait3A_96, %dma_wait3A_97] : memref<1015808x64xf32, #tpu.memory_space<hbm>> -> memref<1015808x64xf32, #tpu.memory_space<hbm>>
      tpu.wait_indirect_dma semaphore(%arg12 : memref<!tpu.dma_semaphore, #tpu.memory_space<semaphore_mem>>) src(%dma_wait3A_98 : memref<1015808x64xf32, #tpu.memory_space<hbm>>) dst(%arg8 : memref<256x64xf32, #tpu.memory_space<vmem>>)
      %mul3A_99 = arith.constant 256 : i32
      %mul3A_100 = arith.muli %add3A_92, %mul3A_99 : i32
      %add3A_101 = arith.addi %mul3A_11, %mul3A_100 : i32
      "tpu.region"() ({
        %run_scoped3A_152 = tpu.sem_alloc : memref<!tpu.dma_semaphore, #tpu.memory_space<semaphore_mem>>
        %dma_start3A_153 = arith.constant 0 : i32
        %dma_start3A_154 = tpu.memref_slice %arg4[%add3A_101, %dma_start3A_153] : memref<819200x64xf32, #tpu.memory_space<hbm>> -> memref<256x64xf32, #tpu.memory_space<hbm>>
        %dma_start3A_155 = arith.constant 0 : i32
        %dma_start3A_156 = tpu.memref_slice %arg4[%add3A_101, %dma_start3A_155] : memref<819200x64xf32, #tpu.memory_space<hbm>> -> memref<256x64xf32, #tpu.memory_space<hbm>>
        tpu.enqueue_dma source(%arg8 : memref<256x64xf32, #tpu.memory_space<vmem>>) target(%dma_start3A_156 : memref<256x64xf32, #tpu.memory_space<hbm>>) target_semaphore(%run_scoped3A_152 : memref<!tpu.dma_semaphore, #tpu.memory_space<semaphore_mem>>)
        %dma_wait3A_157 = arith.constant 0 : i32
        %dma_wait3A_158 = tpu.memref_slice %arg4[%add3A_101, %dma_wait3A_157] : memref<819200x64xf32, #tpu.memory_space<hbm>> -> memref<256x64xf32, #tpu.memory_space<hbm>>
        %dma_wait3A_159 = arith.constant 0 : i32
        %dma_wait3A_160 = tpu.memref_slice %arg4[%add3A_101, %dma_wait3A_159] : memref<819200x64xf32, #tpu.memory_space<hbm>> -> memref<256x64xf32, #tpu.memory_space<hbm>>
        tpu.wait_dma2 semaphore(%run_scoped3A_152 : memref<!tpu.dma_semaphore, #tpu.memory_space<semaphore_mem>>) src(%arg8 : memref<256x64xf32, #tpu.memory_space<vmem>>) dst(%dma_wait3A_160 : memref<256x64xf32, #tpu.memory_space<hbm>>)
        tpu.yield
      }) : () -> ()
      %add3A_102 = arith.constant 4 : i32
      %add3A_103 = arith.addi %add3A_92, %add3A_102 : i32
      %mul3A_104 = arith.constant 256 : i32
      %mul3A_105 = arith.muli %add3A_103, %mul3A_104 : i32
      %dma_start3A_106 = tpu.memref_slice %arg6[%mul3A_105] : memref<25600xi32, #tpu.memory_space<vmem>> -> memref<256xi32, #tpu.memory_space<vmem>>
      %dma_start3A_107 = arith.constant 0 : i32
      %dma_start3A_108 = arith.constant 0 : i32
      %dma_start3A_109 = tpu.memref_slice %arg3[%dma_start3A_107, %dma_start3A_108] : memref<1015808x64xf32, #tpu.memory_space<hbm>> -> memref<1015808x64xf32, #tpu.memory_space<hbm>>
      tpu.enqueue_indirect_dma source(%dma_start3A_109 : memref<1015808x64xf32, #tpu.memory_space<hbm>>) target(%arg8 : memref<256x64xf32, #tpu.memory_space<vmem>>) offsets(%dma_start3A_106 : memref<256xi32, #tpu.memory_space<vmem>>) semaphore(%arg12 : memref<!tpu.dma_semaphore, #tpu.memory_space<semaphore_mem>>)
      %mul3A_110 = arith.constant 4 : i32
      %mul3A_111 = arith.muli %add3A_67, %mul3A_110 : i32
      %add3A_112 = arith.constant 2 : i32
      %add3A_113 = arith.addi %mul3A_111, %add3A_112 : i32
      %mul3A_114 = arith.constant 256 : i32
      %mul3A_115 = arith.muli %add3A_113, %mul3A_114 : i32
      %dma_wait3A_116 = tpu.memref_slice %arg6[%mul3A_115] : memref<25600xi32, #tpu.memory_space<vmem>> -> memref<256xi32, #tpu.memory_space<vmem>>
      %dma_wait3A_117 = arith.constant 0 : i32
      %dma_wait3A_118 = arith.constant 0 : i32
      %dma_wait3A_119 = tpu.memref_slice %arg3[%dma_wait3A_117, %dma_wait3A_118] : memref<1015808x64xf32, #tpu.memory_space<hbm>> -> memref<1015808x64xf32, #tpu.memory_space<hbm>>
      tpu.wait_indirect_dma semaphore(%arg13 : memref<!tpu.dma_semaphore, #tpu.memory_space<semaphore_mem>>) src(%dma_wait3A_119 : memref<1015808x64xf32, #tpu.memory_space<hbm>>) dst(%arg9 : memref<256x64xf32, #tpu.memory_space<vmem>>)
      %mul3A_120 = arith.constant 256 : i32
      %mul3A_121 = arith.muli %add3A_113, %mul3A_120 : i32
      %add3A_122 = arith.addi %mul3A_11, %mul3A_121 : i32
      "tpu.region"() ({
        %run_scoped3A_152 = tpu.sem_alloc : memref<!tpu.dma_semaphore, #tpu.memory_space<semaphore_mem>>
        %dma_start3A_153 = arith.constant 0 : i32
        %dma_start3A_154 = tpu.memref_slice %arg4[%add3A_122, %dma_start3A_153] : memref<819200x64xf32, #tpu.memory_space<hbm>> -> memref<256x64xf32, #tpu.memory_space<hbm>>
        %dma_start3A_155 = arith.constant 0 : i32
        %dma_start3A_156 = tpu.memref_slice %arg4[%add3A_122, %dma_start3A_155] : memref<819200x64xf32, #tpu.memory_space<hbm>> -> memref<256x64xf32, #tpu.memory_space<hbm>>
        tpu.enqueue_dma source(%arg9 : memref<256x64xf32, #tpu.memory_space<vmem>>) target(%dma_start3A_156 : memref<256x64xf32, #tpu.memory_space<hbm>>) target_semaphore(%run_scoped3A_152 : memref<!tpu.dma_semaphore, #tpu.memory_space<semaphore_mem>>)
        %dma_wait3A_157 = arith.constant 0 : i32
        %dma_wait3A_158 = tpu.memref_slice %arg4[%add3A_122, %dma_wait3A_157] : memref<819200x64xf32, #tpu.memory_space<hbm>> -> memref<256x64xf32, #tpu.memory_space<hbm>>
        %dma_wait3A_159 = arith.constant 0 : i32
        %dma_wait3A_160 = tpu.memref_slice %arg4[%add3A_122, %dma_wait3A_159] : memref<819200x64xf32, #tpu.memory_space<hbm>> -> memref<256x64xf32, #tpu.memory_space<hbm>>
        tpu.wait_dma2 semaphore(%run_scoped3A_152 : memref<!tpu.dma_semaphore, #tpu.memory_space<semaphore_mem>>) src(%arg9 : memref<256x64xf32, #tpu.memory_space<vmem>>) dst(%dma_wait3A_160 : memref<256x64xf32, #tpu.memory_space<hbm>>)
        tpu.yield
      }) : () -> ()
      %add3A_123 = arith.constant 4 : i32
      %add3A_124 = arith.addi %add3A_113, %add3A_123 : i32
      %mul3A_125 = arith.constant 256 : i32
      %mul3A_126 = arith.muli %add3A_124, %mul3A_125 : i32
      %dma_start3A_127 = tpu.memref_slice %arg6[%mul3A_126] : memref<25600xi32, #tpu.memory_space<vmem>> -> memref<256xi32, #tpu.memory_space<vmem>>
      %dma_start3A_128 = arith.constant 0 : i32
      %dma_start3A_129 = arith.constant 0 : i32
      %dma_start3A_130 = tpu.memref_slice %arg3[%dma_start3A_128, %dma_start3A_129] : memref<1015808x64xf32, #tpu.memory_space<hbm>> -> memref<1015808x64xf32, #tpu.memory_space<hbm>>
      tpu.enqueue_indirect_dma source(%dma_start3A_130 : memref<1015808x64xf32, #tpu.memory_space<hbm>>) target(%arg9 : memref<256x64xf32, #tpu.memory_space<vmem>>) offsets(%dma_start3A_127 : memref<256xi32, #tpu.memory_space<vmem>>) semaphore(%arg13 : memref<!tpu.dma_semaphore, #tpu.memory_space<semaphore_mem>>)
      %mul3A_131 = arith.constant 4 : i32
      %mul3A_132 = arith.muli %add3A_67, %mul3A_131 : i32
      %add3A_133 = arith.constant 3 : i32
      %add3A_134 = arith.addi %mul3A_132, %add3A_133 : i32
      %mul3A_135 = arith.constant 256 : i32
      %mul3A_136 = arith.muli %add3A_134, %mul3A_135 : i32
      %dma_wait3A_137 = tpu.memref_slice %arg6[%mul3A_136] : memref<25600xi32, #tpu.memory_space<vmem>> -> memref<256xi32, #tpu.memory_space<vmem>>
      %dma_wait3A_138 = arith.constant 0 : i32
      %dma_wait3A_139 = arith.constant 0 : i32
      %dma_wait3A_140 = tpu.memref_slice %arg3[%dma_wait3A_138, %dma_wait3A_139] : memref<1015808x64xf32, #tpu.memory_space<hbm>> -> memref<1015808x64xf32, #tpu.memory_space<hbm>>
      tpu.wait_indirect_dma semaphore(%arg14 : memref<!tpu.dma_semaphore, #tpu.memory_space<semaphore_mem>>) src(%dma_wait3A_140 : memref<1015808x64xf32, #tpu.memory_space<hbm>>) dst(%arg10 : memref<256x64xf32, #tpu.memory_space<vmem>>)
      %mul3A_141 = arith.constant 256 : i32
      %mul3A_142 = arith.muli %add3A_134, %mul3A_141 : i32
      %add3A_143 = arith.addi %mul3A_11, %mul3A_142 : i32
      "tpu.region"() ({
        %run_scoped3A_152 = tpu.sem_alloc : memref<!tpu.dma_semaphore, #tpu.memory_space<semaphore_mem>>
        %dma_start3A_153 = arith.constant 0 : i32
        %dma_start3A_154 = tpu.memref_slice %arg4[%add3A_143, %dma_start3A_153] : memref<819200x64xf32, #tpu.memory_space<hbm>> -> memref<256x64xf32, #tpu.memory_space<hbm>>
        %dma_start3A_155 = arith.constant 0 : i32
        %dma_start3A_156 = tpu.memref_slice %arg4[%add3A_143, %dma_start3A_155] : memref<819200x64xf32, #tpu.memory_space<hbm>> -> memref<256x64xf32, #tpu.memory_space<hbm>>
        tpu.enqueue_dma source(%arg10 : memref<256x64xf32, #tpu.memory_space<vmem>>) target(%dma_start3A_156 : memref<256x64xf32, #tpu.memory_space<hbm>>) target_semaphore(%run_scoped3A_152 : memref<!tpu.dma_semaphore, #tpu.memory_space<semaphore_mem>>)
        %dma_wait3A_157 = arith.constant 0 : i32
        %dma_wait3A_158 = tpu.memref_slice %arg4[%add3A_143, %dma_wait3A_157] : memref<819200x64xf32, #tpu.memory_space<hbm>> -> memref<256x64xf32, #tpu.memory_space<hbm>>
        %dma_wait3A_159 = arith.constant 0 : i32
        %dma_wait3A_160 = tpu.memref_slice %arg4[%add3A_143, %dma_wait3A_159] : memref<819200x64xf32, #tpu.memory_space<hbm>> -> memref<256x64xf32, #tpu.memory_space<hbm>>
        tpu.wait_dma2 semaphore(%run_scoped3A_152 : memref<!tpu.dma_semaphore, #tpu.memory_space<semaphore_mem>>) src(%arg10 : memref<256x64xf32, #tpu.memory_space<vmem>>) dst(%dma_wait3A_160 : memref<256x64xf32, #tpu.memory_space<hbm>>)
        tpu.yield
      }) : () -> ()
      %add3A_144 = arith.constant 4 : i32
      %add3A_145 = arith.addi %add3A_134, %add3A_144 : i32
      %mul3A_146 = arith.constant 256 : i32
      %mul3A_147 = arith.muli %add3A_145, %mul3A_146 : i32
      %dma_start3A_148 = tpu.memref_slice %arg6[%mul3A_147] : memref<25600xi32, #tpu.memory_space<vmem>> -> memref<256xi32, #tpu.memory_space<vmem>>
      %dma_start3A_149 = arith.constant 0 : i32
      %dma_start3A_150 = arith.constant 0 : i32
      %dma_start3A_151 = tpu.memref_slice %arg3[%dma_start3A_149, %dma_start3A_150] : memref<1015808x64xf32, #tpu.memory_space<hbm>> -> memref<1015808x64xf32, #tpu.memory_space<hbm>>
      tpu.enqueue_indirect_dma source(%dma_start3A_151 : memref<1015808x64xf32, #tpu.memory_space<hbm>>) target(%arg10 : memref<256x64xf32, #tpu.memory_space<vmem>>) offsets(%dma_start3A_148 : memref<256xi32, #tpu.memory_space<vmem>>) semaphore(%arg14 : memref<!tpu.dma_semaphore, #tpu.memory_space<semaphore_mem>>)
    }
    %scan3A_35 = arith.constant 24 : i32
    %dma_wait3A = arith.constant 24576 : i32
    %dma_wait3A_36 = tpu.memref_slice %arg6[%dma_wait3A] : memref<25600xi32, #tpu.memory_space<vmem>> -> memref<256xi32, #tpu.memory_space<vmem>>
    %dma_wait3A_37 = arith.constant 0 : i32
    %dma_wait3A_38 = arith.constant 0 : i32
    %dma_wait3A_39 = tpu.memref_slice %arg3[%dma_wait3A_37, %dma_wait3A_38] : memref<1015808x64xf32, #tpu.memory_space<hbm>> -> memref<1015808x64xf32, #tpu.memory_space<hbm>>
    tpu.wait_indirect_dma semaphore(%arg11 : memref<!tpu.dma_semaphore, #tpu.memory_space<semaphore_mem>>) src(%dma_wait3A_39 : memref<1015808x64xf32, #tpu.memory_space<hbm>>) dst(%arg7 : memref<256x64xf32, #tpu.memory_space<vmem>>)
    %add3A_40 = arith.constant 24576 : i32
    %add3A_41 = arith.addi %mul3A_11, %add3A_40 : i32
    "tpu.region"() ({
      %run_scoped3A_63 = tpu.sem_alloc : memref<!tpu.dma_semaphore, #tpu.memory_space<semaphore_mem>>
      %dma_start3A_64 = arith.constant 0 : i32
      %dma_start3A_65 = tpu.memref_slice %arg4[%add3A_41, %dma_start3A_64] : memref<819200x64xf32, #tpu.memory_space<hbm>> -> memref<256x64xf32, #tpu.memory_space<hbm>>
      %dma_start3A_66 = arith.constant 0 : i32
      %dma_start3A_67 = tpu.memref_slice %arg4[%add3A_41, %dma_start3A_66] : memref<819200x64xf32, #tpu.memory_space<hbm>> -> memref<256x64xf32, #tpu.memory_space<hbm>>
      tpu.enqueue_dma source(%arg7 : memref<256x64xf32, #tpu.memory_space<vmem>>) target(%dma_start3A_67 : memref<256x64xf32, #tpu.memory_space<hbm>>) target_semaphore(%run_scoped3A_63 : memref<!tpu.dma_semaphore, #tpu.memory_space<semaphore_mem>>)
      %dma_wait3A_68 = arith.constant 0 : i32
      %dma_wait3A_69 = tpu.memref_slice %arg4[%add3A_41, %dma_wait3A_68] : memref<819200x64xf32, #tpu.memory_space<hbm>> -> memref<256x64xf32, #tpu.memory_space<hbm>>
      %dma_wait3A_70 = arith.constant 0 : i32
      %dma_wait3A_71 = tpu.memref_slice %arg4[%add3A_41, %dma_wait3A_70] : memref<819200x64xf32, #tpu.memory_space<hbm>> -> memref<256x64xf32, #tpu.memory_space<hbm>>
      tpu.wait_dma2 semaphore(%run_scoped3A_63 : memref<!tpu.dma_semaphore, #tpu.memory_space<semaphore_mem>>) src(%arg7 : memref<256x64xf32, #tpu.memory_space<vmem>>) dst(%dma_wait3A_71 : memref<256x64xf32, #tpu.memory_space<hbm>>)
      tpu.yield
    }) : () -> ()
    %dma_wait3A_42 = arith.constant 24832 : i32
    %dma_wait3A_43 = tpu.memref_slice %arg6[%dma_wait3A_42] : memref<25600xi32, #tpu.memory_space<vmem>> -> memref<256xi32, #tpu.memory_space<vmem>>
    %dma_wait3A_44 = arith.constant 0 : i32
    %dma_wait3A_45 = arith.constant 0 : i32
    %dma_wait3A_46 = tpu.memref_slice %arg3[%dma_wait3A_44, %dma_wait3A_45] : memref<1015808x64xf32, #tpu.memory_space<hbm>> -> memref<1015808x64xf32, #tpu.memory_space<hbm>>
    tpu.wait_indirect_dma semaphore(%arg12 : memref<!tpu.dma_semaphore, #tpu.memory_space<semaphore_mem>>) src(%dma_wait3A_46 : memref<1015808x64xf32, #tpu.memory_space<hbm>>) dst(%arg8 : memref<256x64xf32, #tpu.memory_space<vmem>>)
    %add3A_47 = arith.constant 24832 : i32
    %add3A_48 = arith.addi %mul3A_11, %add3A_47 : i32
    "tpu.region"() ({
      %run_scoped3A_63 = tpu.sem_alloc : memref<!tpu.dma_semaphore, #tpu.memory_space<semaphore_mem>>
      %dma_start3A_64 = arith.constant 0 : i32
      %dma_start3A_65 = tpu.memref_slice %arg4[%add3A_48, %dma_start3A_64] : memref<819200x64xf32, #tpu.memory_space<hbm>> -> memref<256x64xf32, #tpu.memory_space<hbm>>
      %dma_start3A_66 = arith.constant 0 : i32
      %dma_start3A_67 = tpu.memref_slice %arg4[%add3A_48, %dma_start3A_66] : memref<819200x64xf32, #tpu.memory_space<hbm>> -> memref<256x64xf32, #tpu.memory_space<hbm>>
      tpu.enqueue_dma source(%arg8 : memref<256x64xf32, #tpu.memory_space<vmem>>) target(%dma_start3A_67 : memref<256x64xf32, #tpu.memory_space<hbm>>) target_semaphore(%run_scoped3A_63 : memref<!tpu.dma_semaphore, #tpu.memory_space<semaphore_mem>>)
      %dma_wait3A_68 = arith.constant 0 : i32
      %dma_wait3A_69 = tpu.memref_slice %arg4[%add3A_48, %dma_wait3A_68] : memref<819200x64xf32, #tpu.memory_space<hbm>> -> memref<256x64xf32, #tpu.memory_space<hbm>>
      %dma_wait3A_70 = arith.constant 0 : i32
      %dma_wait3A_71 = tpu.memref_slice %arg4[%add3A_48, %dma_wait3A_70] : memref<819200x64xf32, #tpu.memory_space<hbm>> -> memref<256x64xf32, #tpu.memory_space<hbm>>
      tpu.wait_dma2 semaphore(%run_scoped3A_63 : memref<!tpu.dma_semaphore, #tpu.memory_space<semaphore_mem>>) src(%arg8 : memref<256x64xf32, #tpu.memory_space<vmem>>) dst(%dma_wait3A_71 : memref<256x64xf32, #tpu.memory_space<hbm>>)
      tpu.yield
    }) : () -> ()
    %dma_wait3A_49 = arith.constant 25088 : i32
    %dma_wait3A_50 = tpu.memref_slice %arg6[%dma_wait3A_49] : memref<25600xi32, #tpu.memory_space<vmem>> -> memref<256xi32, #tpu.memory_space<vmem>>
    %dma_wait3A_51 = arith.constant 0 : i32
    %dma_wait3A_52 = arith.constant 0 : i32
    %dma_wait3A_53 = tpu.memref_slice %arg3[%dma_wait3A_51, %dma_wait3A_52] : memref<1015808x64xf32, #tpu.memory_space<hbm>> -> memref<1015808x64xf32, #tpu.memory_space<hbm>>
    tpu.wait_indirect_dma semaphore(%arg13 : memref<!tpu.dma_semaphore, #tpu.memory_space<semaphore_mem>>) src(%dma_wait3A_53 : memref<1015808x64xf32, #tpu.memory_space<hbm>>) dst(%arg9 : memref<256x64xf32, #tpu.memory_space<vmem>>)
    %add3A_54 = arith.constant 25088 : i32
    %add3A_55 = arith.addi %mul3A_11, %add3A_54 : i32
    "tpu.region"() ({
      %run_scoped3A_63 = tpu.sem_alloc : memref<!tpu.dma_semaphore, #tpu.memory_space<semaphore_mem>>
      %dma_start3A_64 = arith.constant 0 : i32
      %dma_start3A_65 = tpu.memref_slice %arg4[%add3A_55, %dma_start3A_64] : memref<819200x64xf32, #tpu.memory_space<hbm>> -> memref<256x64xf32, #tpu.memory_space<hbm>>
      %dma_start3A_66 = arith.constant 0 : i32
      %dma_start3A_67 = tpu.memref_slice %arg4[%add3A_55, %dma_start3A_66] : memref<819200x64xf32, #tpu.memory_space<hbm>> -> memref<256x64xf32, #tpu.memory_space<hbm>>
      tpu.enqueue_dma source(%arg9 : memref<256x64xf32, #tpu.memory_space<vmem>>) target(%dma_start3A_67 : memref<256x64xf32, #tpu.memory_space<hbm>>) target_semaphore(%run_scoped3A_63 : memref<!tpu.dma_semaphore, #tpu.memory_space<semaphore_mem>>)
      %dma_wait3A_68 = arith.constant 0 : i32
      %dma_wait3A_69 = tpu.memref_slice %arg4[%add3A_55, %dma_wait3A_68] : memref<819200x64xf32, #tpu.memory_space<hbm>> -> memref<256x64xf32, #tpu.memory_space<hbm>>
      %dma_wait3A_70 = arith.constant 0 : i32
      %dma_wait3A_71 = tpu.memref_slice %arg4[%add3A_55, %dma_wait3A_70] : memref<819200x64xf32, #tpu.memory_space<hbm>> -> memref<256x64xf32, #tpu.memory_space<hbm>>
      tpu.wait_dma2 semaphore(%run_scoped3A_63 : memref<!tpu.dma_semaphore, #tpu.memory_space<semaphore_mem>>) src(%arg9 : memref<256x64xf32, #tpu.memory_space<vmem>>) dst(%dma_wait3A_71 : memref<256x64xf32, #tpu.memory_space<hbm>>)
      tpu.yield
    }) : () -> ()
    %dma_wait3A_56 = arith.constant 25344 : i32
    %dma_wait3A_57 = tpu.memref_slice %arg6[%dma_wait3A_56] : memref<25600xi32, #tpu.memory_space<vmem>> -> memref<256xi32, #tpu.memory_space<vmem>>
    %dma_wait3A_58 = arith.constant 0 : i32
    %dma_wait3A_59 = arith.constant 0 : i32
    %dma_wait3A_60 = tpu.memref_slice %arg3[%dma_wait3A_58, %dma_wait3A_59] : memref<1015808x64xf32, #tpu.memory_space<hbm>> -> memref<1015808x64xf32, #tpu.memory_space<hbm>>
    tpu.wait_indirect_dma semaphore(%arg14 : memref<!tpu.dma_semaphore, #tpu.memory_space<semaphore_mem>>) src(%dma_wait3A_60 : memref<1015808x64xf32, #tpu.memory_space<hbm>>) dst(%arg10 : memref<256x64xf32, #tpu.memory_space<vmem>>)
    %add3A_61 = arith.constant 25344 : i32
    %add3A_62 = arith.addi %mul3A_11, %add3A_61 : i32
    "tpu.region"() ({
      %run_scoped3A_63 = tpu.sem_alloc : memref<!tpu.dma_semaphore, #tpu.memory_space<semaphore_mem>>
      %dma_start3A_64 = arith.constant 0 : i32
      %dma_start3A_65 = tpu.memref_slice %arg4[%add3A_62, %dma_start3A_64] : memref<819200x64xf32, #tpu.memory_space<hbm>> -> memref<256x64xf32, #tpu.memory_space<hbm>>
      %dma_start3A_66 = arith.constant 0 : i32
      %dma_start3A_67 = tpu.memref_slice %arg4[%add3A_62, %dma_start3A_66] : memref<819200x64xf32, #tpu.memory_space<hbm>> -> memref<256x64xf32, #tpu.memory_space<hbm>>
      tpu.enqueue_dma source(%arg10 : memref<256x64xf32, #tpu.memory_space<vmem>>) target(%dma_start3A_67 : memref<256x64xf32, #tpu.memory_space<hbm>>) target_semaphore(%run_scoped3A_63 : memref<!tpu.dma_semaphore, #tpu.memory_space<semaphore_mem>>)
      %dma_wait3A_68 = arith.constant 0 : i32
      %dma_wait3A_69 = tpu.memref_slice %arg4[%add3A_62, %dma_wait3A_68] : memref<819200x64xf32, #tpu.memory_space<hbm>> -> memref<256x64xf32, #tpu.memory_space<hbm>>
      %dma_wait3A_70 = arith.constant 0 : i32
      %dma_wait3A_71 = tpu.memref_slice %arg4[%add3A_62, %dma_wait3A_70] : memref<819200x64xf32, #tpu.memory_space<hbm>> -> memref<256x64xf32, #tpu.memory_space<hbm>>
      tpu.wait_dma2 semaphore(%run_scoped3A_63 : memref<!tpu.dma_semaphore, #tpu.memory_space<semaphore_mem>>) src(%arg10 : memref<256x64xf32, #tpu.memory_space<vmem>>) dst(%dma_wait3A_71 : memref<256x64xf32, #tpu.memory_space<hbm>>)
      tpu.yield
    }) : () -> ()
    return
  }
}

module attributes {stable_mosaic.version = 14 : i64} {
  func.func @_table_relayout_body(%arg0: i32, %arg1: memref<64x8192xf32, #tpu.memory_space<vmem>>, %arg2: memref<64x8192xf32, #tpu.memory_space<vmem>>, %arg3: memref<8192x128xf32, #tpu.memory_space<vmem>>) attributes {dimension_semantics = [#tpu.dimension_semantics<arbitrary>], iteration_bounds = array<i64: 62>, scalar_prefetch = 0 : i64, scratch_operands = 0 : i64, tpu.core_type = #tpu.core_type<tc>, window_params = [{transform_indices = @transform_0, window_bounds = array<i64: 64, 8192>}, {transform_indices = @transform_1, window_bounds = array<i64: 64, 8192>}, {transform_indices = @transform_2, window_bounds = array<i64: 8192, 128>}]} {
    %iota3A = tpu.iota {dimensions = array<i32: 0>} : vector<64x64xi32>
    %iota3A_0 = tpu.iota {dimensions = array<i32: 1>} : vector<64x64xi32>
    %eq3A = arith.cmpi eq, %iota3A, %iota3A_0 : vector<64x64xi32>
    %convert_element_type3A = arith.extui %eq3A : vector<64x64xi1> to vector<64x64xi32>
    %convert_element_type3A_1 = arith.sitofp %convert_element_type3A : vector<64x64xi32> to vector<64x64xf32>
    %get3A = arith.constant 0 : index
    %get3A_2 = arith.constant 0 : index
    %get3A_3 = vector.load %arg1[%get3A, %get3A_2] : memref<64x8192xf32, #tpu.memory_space<vmem>>, vector<64x8192xf32>
    %dot_general3A = arith.constant dense<0.000000e+00> : vector<8192x64xf32>
    %dot_general3A_4 = tpu.matmul %get3A_3, %convert_element_type3A_1, %dot_general3A {dimension_numbers = #tpu.dot_dimension_numbers<[0], [0], [1], [1], [0, 1, 1, 1], [], []>, transpose_lhs_hint = false} : vector<64x8192xf32>, vector<64x64xf32>, vector<8192x64xf32> -> vector<8192x64xf32>
    %get3A_5 = arith.constant 0 : index
    %get3A_6 = arith.constant 0 : index
    %get3A_7 = vector.load %arg2[%get3A_5, %get3A_6] : memref<64x8192xf32, #tpu.memory_space<vmem>>, vector<64x8192xf32>
    %dot_general3A_8 = arith.constant dense<0.000000e+00> : vector<8192x64xf32>
    %dot_general3A_9 = tpu.matmul %get3A_7, %convert_element_type3A_1, %dot_general3A_8 {dimension_numbers = #tpu.dot_dimension_numbers<[0], [0], [1], [1], [0, 1, 1, 1], [], []>, transpose_lhs_hint = false} : vector<64x8192xf32>, vector<64x64xf32>, vector<8192x64xf32> -> vector<8192x64xf32>
    %concatenate3A = tpu.concatenate %dot_general3A_4, %dot_general3A_9 in 1 : vector<8192x64xf32>, vector<8192x64xf32> -> vector<8192x128xf32>
    %swap3A = arith.constant 0 : index
    %swap3A_10 = arith.constant 0 : index
    %swap3A_11 = vector.load %arg3[%swap3A, %swap3A_10] : memref<8192x128xf32, #tpu.memory_space<vmem>>, vector<8192x128xf32>
    tpu.vector_store %arg3[%swap3A, %swap3A_10], %concatenate3A {strides = array<i32>} : memref<8192x128xf32, #tpu.memory_space<vmem>>, vector<8192x128xf32>,
    return
  }
  func.func @transform_0(%arg0: i32) -> (i32, i32) {
    %c0_i32 = arith.constant 0 : i32
    %c0_i32_0 = arith.constant 0 : i32
    return %c0_i32, %arg0 : i32, i32
  }
  func.func @transform_1(%arg0: i32) -> (i32, i32) {
    %add3A = arith.constant 62 : i32
    %add3A_0 = arith.addi %add3A, %arg0 : i32
    %min3A = arith.constant 122 : i32
    %min3A_1 = arith.minsi %add3A_0, %min3A : i32
    %c0_i32 = arith.constant 0 : i32
    %c0_i32_2 = arith.constant 0 : i32
    return %c0_i32, %min3A_1 : i32, i32
  }
  func.func @transform_2(%arg0: i32) -> (i32, i32) {
    %c0_i32 = arith.constant 0 : i32
    %c0_i32_0 = arith.constant 0 : i32
    return %arg0, %c0_i32 : i32, i32
  }
}

module attributes {stable_mosaic.version = 14 : i64} {
  func.func @_out_fold_body(%arg0: i32, %arg1: i32, %arg2: memref<8192x128xf32, #tpu.memory_space<vmem>>, %arg3: memref<1x64x16384xf32, #tpu.memory_space<vmem>>) attributes {dimension_semantics = [#tpu.dimension_semantics<arbitrary>, #tpu.dimension_semantics<arbitrary>], iteration_bounds = array<i64: 50, 1>, scalar_prefetch = 0 : i64, scratch_operands = 0 : i64, tpu.core_type = #tpu.core_type<tc>, window_params = [{transform_indices = @transform_0, window_bounds = array<i64: 8192, 128>}, {transform_indices = @transform_1, window_bounds = array<i64: 1, 64, 16384>}]} {
    %iota3A = tpu.iota {dimensions = array<i32: 0>} : vector<64x64xi32>
    %iota3A_0 = tpu.iota {dimensions = array<i32: 1>} : vector<64x64xi32>
    %eq3A = arith.cmpi eq, %iota3A, %iota3A_0 : vector<64x64xi32>
    %convert_element_type3A = arith.extui %eq3A : vector<64x64xi1> to vector<64x64xi32>
    %convert_element_type3A_1 = arith.sitofp %convert_element_type3A : vector<64x64xi32> to vector<64x64xf32>
    %get3A = arith.constant 0 : index
    %get3A_2 = arith.constant 0 : index
    %get3A_3 = vector.load %arg2[%get3A, %get3A_2] : memref<8192x128xf32, #tpu.memory_space<vmem>>, vector<8192x128xf32>
    %slice3A = vector.extract_strided_slice %get3A_3 {offsets = [0, 0], sizes = [8192, 64], strides = [1, 1]} : vector<8192x128xf32> to vector<8192x64xf32>
    %dot_general3A = arith.constant dense<0.000000e+00> : vector<64x8192xf32>
    %dot_general3A_4 = tpu.matmul %convert_element_type3A_1, %slice3A, %dot_general3A {dimension_numbers = #tpu.dot_dimension_numbers<[0], [1], [1], [0], [0, 1, 1, 0], [], []>, transpose_lhs_hint = false} : vector<64x64xf32>, vector<8192x64xf32>, vector<64x8192xf32> -> vector<64x8192xf32>
    %slice3A_5 = vector.extract_strided_slice %get3A_3 {offsets = [0, 64], sizes = [8192, 64], strides = [1, 1]} : vector<8192x128xf32> to vector<8192x64xf32>
    %dot_general3A_6 = arith.constant dense<0.000000e+00> : vector<64x8192xf32>
    %dot_general3A_7 = tpu.matmul %convert_element_type3A_1, %slice3A_5, %dot_general3A_6 {dimension_numbers = #tpu.dot_dimension_numbers<[0], [1], [1], [0], [0, 1, 1, 0], [], []>, transpose_lhs_hint = false} : vector<64x64xf32>, vector<8192x64xf32>, vector<64x8192xf32> -> vector<64x8192xf32>
    %concatenate3A = tpu.concatenate %dot_general3A_4, %dot_general3A_7 in 1 : vector<64x8192xf32>, vector<64x8192xf32> -> vector<64x16384xf32>
    %swap3A = arith.constant 0 : index
    %swap3A_8 = arith.constant 0 : index
    %swap3A_9 = arith.constant 0 : index
    %swap3A_10 = vector.load %arg3[%swap3A, %swap3A_8, %swap3A_9] : memref<1x64x16384xf32, #tpu.memory_space<vmem>>, vector<1x64x16384xf32>
    %swap3A_11 = vector.shape_cast %swap3A_10 : vector<1x64x16384xf32> to vector<64x16384xf32>
    %swap3A_12 = vector.shape_cast %concatenate3A : vector<64x16384xf32> to vector<1x64x16384xf32>
    tpu.vector_store %arg3[%swap3A, %swap3A_8, %swap3A_9], %swap3A_12 {strides = array<i32>} : memref<1x64x16384xf32, #tpu.memory_space<vmem>>, vector<1x64x16384xf32>,
    return
  }
  func.func @transform_0(%arg0: i32, %arg1: i32) -> (i32, i32) {
    %mul3A = arith.constant 1 : i32
    %mul3A_0 = arith.muli %arg0, %mul3A : i32
    %add3A = arith.addi %mul3A_0, %arg1 : i32
    %c0_i32 = arith.constant 0 : i32
    %c0_i32_1 = arith.constant 0 : i32
    return %add3A, %c0_i32 : i32, i32
  }
  func.func @transform_1(%arg0: i32, %arg1: i32) -> (i32, i32, i32) {
    %c0_i32 = arith.constant 0 : i32
    %c0_i32_0 = arith.constant 0 : i32
    return %arg0, %c0_i32, %arg1 : i32, i32, i32
  }
}

</mosaic_0001>

<sc_bundles>
// kernel: kernel.5.cloned.1.call-start
scs
__scs_entry_jumppad:
0x0: {  	(pc) =	sbr.rel $0x88, $3  }
0x1: {  	(tag) =	ssettag $0x0;
	lr =	simm.s32 $0x1  }
0x2: {  	[smem:$0x3F9F] =	sst lr;
	_ =	strace $0xD0000000  }
0x3: {  	_ = 	snop  }
0x4: {  	_ = 	snop  }
0x5: {  	_ = 	snop  }
0x6: {  	_ = 	snop  }
0x7: {  	_ = 	snop  }
__scs_overlays_trampoline_lowered:
0x8: {  	[smem:$0x3FAE] =	sst s0  }
0x9: {  	[smem:$0x3FAF] =	sst s1  }
0xa: {  	[smem:$0x3FB0] =	sst s2  }
0xb: {  	[smem:$0x3FB1] =	sst s3  }
0xc: {  	[smem:$0x3FB2] =	sst s4  }
0xd: {  	[smem:$0x3FB3] =	sst s5  }
0xe: {  	[smem:$0x3FB4] =	sst s6  }
0xf: {  	[smem:$0x3FB5] =	sst s7  }
0x10: {  	[smem:$0x3FB6] =	sst s8  }
0x11: {  	[smem:$0x3FB7] =	sst s9;
	s0 =	simm.s32 @!p0 $0x0  }
0x12: {  	s1 =	sld [smem:$0x3F9D];
	s0 =	simm.s32 @p0 $0x1  }
0x13: {  	[smem:$0x3FB8] =	sst s0;
	s0 =	simm.s32 @!p1 $0x0  }
0x14: {  	s2 =	sld [smem:$0x3F9C];
	s0 =	simm.s32 @p1 $0x1  }
0x15: {  	[smem:$0x3FB9] =	sst s0;
	s0 =	simm.s32 @!p2 $0x0  }
0x16: {  	s3 =	sld [smem:$0x3FDB];
	s0 =	simm.s32 @p2 $0x1  }
0x17: {  	s4 =	simm.s32 $0x1BF5;
	[smem:$0x3FBB] =	sst s0  }
0x18: {  	s0 =	sld [smem:$0x3F9E];
	_ =	swait.ge [sflag:s4], $0x0  }
0x19: {  	s7 =	sld [smem:$0x3F9F]  }
0x1a: {  	s8 =	sadd.s32 $0xFFFFE003, lr  }
0x1b: {  	s9 =	sadd.s32 $0xFFFFFEF7, lr;
	s5 =	simm.s32 $0xFFFFFFFF;
	p2 =	slt.u32 s8, $0xFFFFF086  }
0x1c: {  	p1 =	slt.u32 s9, $0xF7A;
	s5 =	simm.s32 @!p2 $0x0  }
0x1d: {  	s5 =	simm.s32 @p1 $0x1;
	p0 =	seq.s32 s7, s2  }
0x1e: {  	s7 =	smul.u32 @!p0 $0xF7A, s2;
	p2 =	seq.s32 @!p0 s5, $0x0  }
0x1f: {  	s9 =	smul.u32 $0xF7A, s1;
	s8 =	simm.s32 @!p0 $0x1BF5;
	p2 =	por !p2, p0  }
0x20: {  	[sflag:s8] =	ssyncset.s32 @!p0 $0xFFFFF086;
	s6 =	sadd.s32 @!p0 s3, s7;
	s7 =	simm.s32 @!p0 $0x108  }
0x21: {  	s3 =	sadd.s32 s3, s9;
	s6 =	sadd.s32 @!p0 $0x88, s6;
	s7 =	simm.s32 @p2 $0x1082  }
0x22: {  	[simem:s7], [sflag:s8] =	dma.local @!p0 [hbm:s6], $0xF7A  }
0x23: {  	s9 =	sor.u32 $0xD0000000, s2;
	s6 =	simm.s32 $0x108;
	_ =	swait.ge @!p0 [sflag:s8], $0x0  }
0x24: {  	s3 =	sadd.s32 $0x88, s3;
	s6 =	simm.s32 @!p1 $0x1082;
	[sflag:s4] =	ssyncset.s32 $0xFFFFF086  }
0x25: {  	[simem:s6], [sflag:s4] =	dma.local [hbm:s3], $0xF7A  }
0x26: {  	[smem:$0x3F9F] =	sst s1;
	(tag) =	ssettag s2;
	_ =	strace s9  }
0x27: {  	s1 =	sld [smem:$0x3FAF]  }
0x28: {  	s2 =	sld [smem:$0x3FB0]  }
0x29: {  	s4 =	sld [smem:$0x3FB2]  }
0x2a: {  	p0 =	seq.s32 s5, $0x0;
	s5 =	sld [smem:$0x3FB3]  }
0x2b: {  	s6 =	sld [smem:$0x3FB4]  }
0x2c: {  	s7 =	sld [smem:$0x3FB5]  }
0x2d: {  	s3 =	simm.s32 $0x108;
	s8 =	sld [smem:$0x3FB6]  }
0x2e: {  	s3 =	simm.s32 @!p0 $0x1082;
	s9 =	sld [smem:$0x3FB7]  }
0x2f: {  	lr =	sadd.s32 s0, s3;
	s0 =	sld [smem:$0x3FAE]  }
0x30: {  	s3 =	sld [smem:$0x3FB1]  }
0x31: {  	[smem:$0x3FBA] =	sst s10  }
0x32: {  	s10 =	sld [smem:$0x3FB8];
	_ =	sdelay $0x3  }
0x33: {  	p0 =	seq.s32 s10, $0x1;
	s10 =	sld [smem:$0x3FBA];
	_ =	sdelay $0x3  }
0x34: {  	[smem:$0x3FBA] =	sst s10  }
0x35: {  	s10 =	sld [smem:$0x3FB9];
	_ =	sdelay $0x3  }
0x36: {  	p1 =	seq.s32 s10, $0x1;
	s10 =	sld [smem:$0x3FBA];
	_ =	sdelay $0x3  }
0x37: {  	[smem:$0x3FBA] =	sst s10  }
0x38: {  	s10 =	sld [smem:$0x3FBB]  }
0x39: {  	_ = 	snop;
	(pc) =	sbr.ind lr, $3  }
0x3a: {  	_ = 	snop  }
0x3b: {  	_ = 	snop  }
0x3c: {  	p2 =	seq.s32 s10, $0x1;
	s10 =	sld [smem:$0x3FBA]  }
0x3d: {  	_ =	shalt  }
0x3e: {  	_ =	shalt  }
0x3f: {  	_ =	shalt  }
0x40: {  	_ =	shalt  }
0x41: {  	_ =	shalt  }
0x42: {  	_ =	shalt  }
0x43: {  	_ =	shalt  }
0x44: {  	_ =	shalt  }
0x45: {  	_ =	shalt  }
0x46: {  	_ =	shalt  }
0x47: {  	_ =	shalt  }
0x48: {  	_ =	shalt  }
0x49: {  	_ =	shalt  }
0x4a: {  	_ =	shalt  }
0x4b: {  	_ =	shalt  }
0x4c: {  	_ =	shalt  }
0x4d: {  	_ =	shalt  }
0x4e: {  	_ =	shalt  }
0x4f: {  	_ =	shalt  }
0x50: {  	_ =	shalt  }
0x51: {  	_ =	shalt  }
0x52: {  	_ =	shalt  }
0x53: {  	_ =	shalt  }
0x54: {  	_ =	shalt  }
0x55: {  	_ =	shalt  }
0x56: {  	_ =	shalt  }
0x57: {  	_ =	shalt  }
0x58: {  	_ =	shalt  }
0x59: {  	_ =	shalt  }
0x5a: {  	_ =	shalt  }
0x5b: {  	_ =	shalt  }
0x5c: {  	_ =	shalt  }
0x5d: {  	_ =	shalt  }
0x5e: {  	_ =	shalt  }
0x5f: {  	_ =	shalt  }
0x60: {  	_ =	shalt  }
0x61: {  	_ =	shalt  }
0x62: {  	_ =	shalt  }
0x63: {  	_ =	shalt  }
0x64: {  	_ =	shalt  }
0x65: {  	_ =	shalt  }
0x66: {  	_ =	shalt  }
0x67: {  	_ =	shalt  }
0x68: {  	_ =	shalt  }
0x69: {  	_ =	shalt  }
0x6a: {  	_ =	shalt  }
0x6b: {  	_ =	shalt  }
0x6c: {  	_ =	shalt  }
0x6d: {  	_ =	shalt  }
0x6e: {  	_ =	shalt  }
0x6f: {  	_ =	shalt  }
0x70: {  	_ =	shalt  }
0x71: {  	_ =	shalt  }
0x72: {  	_ =	shalt  }
0x73: {  	_ =	shalt  }
0x74: {  	_ =	shalt  }
0x75: {  	_ =	shalt  }
0x76: {  	_ =	shalt  }
0x77: {  	_ =	shalt  }
0x78: {  	_ =	shalt  }
0x79: {  	_ =	shalt  }
0x7a: {  	_ =	shalt  }
0x7b: {  	_ =	shalt  }
0x7c: {  	_ =	shalt  }
0x7d: {  	_ =	shalt  }
0x7e: {  	_ =	shalt  }
0x7f: {  	_ =	shalt  }
0x80: {  	_ =	shalt  }
0x81: {  	_ =	shalt  }
0x82: {  	_ =	shalt  }
0x83: {  	_ =	shalt  }
0x84: {  	_ =	shalt  }
0x85: {  	_ =	shalt  }
0x86: {  	_ =	shalt  }
0x87: {  	_ =	shalt  }
.Lfunc_end0:
.L_simem_size_0:
called_computation_lowered:
.L_overlay_start_0:
0x88: {  	s2 =	sld [smem:$0x3FD9]  }
0x89: {  	s3 =	sld [smem:$0x3FFE];
	_ =	sdelay $0x1  }
0x8a: {  	s1 =	srdreg.scid  }
0x8b: {  	s0 =	sand.u32 $0x1, s1  }
0x8c: {  	s17 =	sshll.u32 s0, $0xA;
	s2 =	sadd.s32 s3, s2  }
0x8d: {  	s2 =	sadd.s32 s2, s17  }
0x8e: {  	[smem:$0x3FC6] =	sst s2  }
0x8f: {  	_ = 	snop  }
0x90: {  	s2 =	sld [smem:$0x3FD0];
	(tm) =	ssettm $0x1  }
0x91: {  	s18 =	sld [smem:$0x3FFB];
	_ =	sdelay $0x3  }
0x92: {  	_ =	strace s18  }
0x93: {  	s3 =	sld [smem:$0x3FFC];
	_ =	sdelay $0x3  }
0x94: {  	_ =	strace s3  }
0x95: {  	s3 =	sld [smem:$0x3FFD];
	_ =	sdelay $0x3  }
0x96: {  	_ =	strace s3  }
0x97: {  	_ =	strace $0x8FFFFFFF  }
0x98: {  	s19 =	sld [smem:$0x3FDB];
	_ =	sdelay $0x1  }
0x99: {  	s4 =	simm.s32 $_scs_section_size  }
0x9a: {  	s5 =	simm.s32 $_size__tile_overlayer_lowered;
	s6 =	simm.s32 $_tile_overlayer_lowered  }
0x9b: {  	s22 =	simm.s32 $0x1BFF;
	s21 =	sshll.u32 s6, $0x1;
	s3 =	sadd.s32 s4, s19  }
0x9c: {  	s7 =	simm.s32 $0x0;
	s20 =	sshll.u32 s5, $0x1;
	s5 =	sadd.s32 s21, s3  }
0x9d: {  	[timem:s7], [sflag:s22] =	dma.local [hbm:s5], s20  }
0x9e: {  	_ =	swait.ge [sflag:s22], s20  }
0x9f: {  	s4 =	ssub.s32 $0x0, s20;
	[sflag:s22] =	ssyncset.done $0x0  }
0xa0: {  	[sflag:s22] =	ssyncadd.s32 s4;
	_ =	sdelay $0x1  }
0xa1: {  	s23 =	simm.s32 $0x1B8B  }
0xa2: {  	_ =	swait.ge [sflag:s23], $0x1  }
0xa3: {  	[sflag:s23] =	ssyncset.done $0x0  }
0xa4: {  	s25 =	simm.s32 $0x1B8E;
	s24 =	sld [smem:$0x3FFE];
	[sflag:s23] =	ssyncadd.s32 $0xFFFFFFFF  }
0xa5: {  	s26 =	simm.s32 $execute0_lowered;
	[smem:$0x3FD2] =	sst s25  }
0xa6: {  	s5 =	sshll.u32 s26, $0x1;
	_ =	strace $0x80000046;
	[dreg:$0x1] =	wrdreg $0xFFFFFFFF  }
0xa7: {  	s28 =	simm.s32 $_size_execute0_lowered;
	s3 =	sadd.s32 s3, s5;
	[dreg:$0x0] =	wrdreg $0x0  }
0xa8: {  	s5 =	sshll.u32 s28, $0x1;
	[dreg:$0x2] =	wrdreg s3  }
0xa9: {  	[dreg:$0x3] =	wrdreg s5  }
0xaa: {  	[dreg:$0x4] =	wrdreg $0xC0  }
0xab: {  	_ =	task [dreg:s7], $0x5FFFF  }
0xac: {  	[dreg:$0x1] =	wrdreg $0xFFFFFFFF  }
0xad: {  	[dreg:$0x0] =	wrdreg $0x60  }
0xae: {  	[dreg:$0x2] =	wrdreg s2  }
0xaf: {  	[dreg:$0x3] =	wrdreg s24  }
0xb0: {  	[dreg:$0x4] =	wrdreg $0x9  }
0xb1: {  	_ =	task.clear_ibuf [dreg:s7], $0x5FFFF;
	_ =	strace $0x90000046  }
0xb2: {  	s29 =	simm.s32 $0x9;
	_ =	strace $0x80000048  }
0xb3: {  	_ =	swait.ge [sflag:s29], $0x1  }
0xb4: {  	[sflag:s29] =	ssyncadd.s32 $0xFFFFFFFF  }
0xb5: {  	_ =	strace $0x90000048  }
0xb6: {  	_ =	sfence  }
0xb7: {  	s30 =	sld [smem:$0x0];
	_ =	sdelay $0x2  }
0xb8: {  	s31 =	sshll.u32 s1, $0xD;
	s1 =	sshrl.u32 s1, $0x2  }
0xb9: {  	s3 =	sand.u32 $0x4000, s31;
	s1 =	sadd.s32 s1, s30  }
0xba: {  	s0 =	sor.u32 s3, s0;
	s1 =	sshll.u32 s1, $0x11  }
0xbb: {  	s0 =	sor.u32 s1, s0  }
0xbc: {  	s0 =	sadd.s32 $0x8F2B, s0  }
0xbd: {  	[sflag:s0] =	ssyncadd.remote.s32 $0x1  }
0xbe: {  	_ =	sfence.sel $0xFFFF  }
0xbf: {  	[dreg:$0x0] =	wrdreg $0xFFFFFFFF;
	(pc) =	sbr.abs _section_cstart, $3  }
0xc0: {  	[dreg:$0x1] =	wrdreg $0xFFFFFFFF  }
0xc1: {  	_ =	task.clear_ibuf [dreg:s7], $0x2FFFF;
	_ =	strace $0x9FFFFFFF  }
0xc2: {  	(tm) =	ssettm $0x7FFFFFFF  }
0xc3: {  	_ =	shalt  }
tec
execute0_lowered:
.L_overlay_start_1:
0x0: {  	(tag) =	ssettag $0x1  }
0x1: {  	s0 =	rddreg [dreg:$0x0]  }
0x2: {  	s1 =	rddreg [dreg:$0x1]  }
0x3: {  	s3 =	srdreg.scid;
	s11 =	stileid.u32;
	s2 =	simm.s32 $0x0  }
0x4: {  	s15 =	simm.s32 $0x5;
	s17 =	simm.s32 $0x6400;
	s18 =	simm.s32 $0x100  }
0x5: {  	s19 =	simm.s32 $0xC800;
	s28 =	simm.s32 $0x2;
	s29 =	simm.s32 $0x3  }
0x6: {  	s30 =	simm.s32 $0x4;
	s31 =	simm.s32 $0x0;
	s9 =	smul.u32 $0x320000, s11  }
0x7: {  	s6 =	sand.u32 $0x1, s3;
	s21 =	sshll.u32 s11, $0x1;
	s11 =	smul.u32 $0xC800, s11  }
0x8: {  	[smem:$0x7FF] =	sst s2;
	s3 =	sadd.s32 $0x400, s1;
	s25 =	smul.u32 $0x6400, s6  }
0x9: {  	s1 =	sadd.s32 $0x7C0400, s1;
	s4 =	sor.u32 s6, s21;
	s12 =	smul.u32 $0x190000, s6  }
0xa: {  	_ =	strace $0x80000047;
	s7 =	ssub.s32 $0x2, s6;
	s5 =	smul.u32 $0x3200, s4  }
0xb: {  	s21 =	simm.s32 $0x10800;
	s8 =	smul.u32 $0x190000, s4;
	s22 =	sshrl.u32 s7, $0x1  }
0xc: {  	s10 =	ssub.s32 s7, s22;
	s11 =	sadd.s32 s25, s11;
	s12 =	sadd.s32 s12, s9  }
0xd: {  	s25 =	simm.s32 $0x18800;
	s23 =	sshrl.u32 s5, $0x3;
	s24 =	sshrl.u32 s8, $0x3  }
0xe: {  	s11 =	sshll.u32 s11, $0x3;
	s26 =	sshrl.u32 s12, $0x3;
	s10 =	smax.u32 s10, $0x1  }
0xf: {  	v0 =	vlaneseq.u32;
	s4 =	sadd.s32 s0, s23;
	s0 =	sadd.s32 s1, s24;
	s14 =	sadd.s32 s11, s1  }
0x10: {  	v1 =	vand.u32 $0x3, v0;
	s11 =	sadd.s32 s26, s1;
	s23 =	simm.s32 $0x14800;
	s24 =	simm.s32 $0x6700  }
0x11: {  	v0 =	vmul.u32 $0x2, v0;
	v1 =	vmul.u32 $0x2, v1;
	s26 =	simm.s32 $0x1;
	s5 =	sadd.s32 $0xC800, s4;
	s6 =	sadd.s32 $0x30000, s0  }
0x12: {  	s7 =	sadd.s32 $0x30800, s0;
	s8 =	sadd.s32 $0x31000, s0;
	s9 =	sadd.s32 $0x31800, s0  }
0x13: {  	v2 =	vor.u32 $0x1, v0;
	v1 =	vor.u32 $0xFFFFFFF8, v1;
	s12 =	sadd.s32 $0x1800, s14;
	s13 =	sadd.s32 $0x1000, s14;
	s14 =	sadd.s32 $0x800, s14  }
.LBB2_1:
0x14: {  	[tilespmem:s2], [sflag:$0x5] =	stream.linear.gather [hbm4b:s4+s2], $0x3200, $0x38;
	[tilespmem:$0x1C800] =	vst v63  }
0x15: {  	_ =	swait.ge [sflag:s15], $0x3200  }
0x16: {  	[sflag:s15] =	ssyncset.done $0x0  }
0x17: {  	s0 =	simm.s32 $0x3200;
	[sflag:s15] =	ssyncadd.s32 $0xFFFFCE00  }
0x18: {  	[tilespmem:s0], [sflag:$0x5] =	stream.linear.gather [hbm4b:s5+s2], $0x3200, $0x38;
	[tilespmem:$0x1C800] =	vst v63  }
0x19: {  	_ =	swait.ge [sflag:s15], $0x3200  }
0x1a: {  	[sflag:s15] =	ssyncset.done $0x0  }
0x1b: {  	v4 =	vor.u32 s2, v0;
	[sflag:s15] =	ssyncadd.s32 $0xFFFFCE00  }
0x1c: {  	s1 =	simm.s32 $0x20;
	s16 =	simm.s32 $0x0;
	v4 =	vand.u32 v1, v4;
	s0 =	simm.s32 $0x0;
	v3 =	vld [tilespmem:s2+$0x0]  }
.LBB2_2:
0x1d: {  	p0 =	sne.s32 s1, $0x63E0;
	v5 =	vld [tilespmem:s0+$0x3200];
	v6 =	vor.u32 s16, v2;
	s16 =	smov.u32 s1;
	_ =	sdelay $0x1  }
.Ltmp0:
0x1e: {  	(pc) =	sbr.rel @p0 .LBB2_2-.Ltmp0, $4  }
0x1f: {  	_ = 	snop  }
0x20: {  	[tilespmem:v4+s17+$0x0] =	vst.idx.msk $0xffff, v3  }
0x21: {  	s0 =	sadd.s32 $0x10, s0;
	v4 =	vor.u32 s1, v0;
	[tilespmem:v6+s17+$0x0] =	vst.idx.msk $0xffff, v5  }
0x22: {  	s1 =	sadd.s32 $0x20, s1;
	v4 =	vand.u32 v1, v4;
	v3 =	vld [tilespmem:s0+$0x0]  }
0x23: {  	v5 =	vld [tilespmem:s0+$0x3200];
	v6 =	vor.u32 s16, v2;
	_ =	sdelay $0x3  }
0x24: {  	[tilespmem:v4+s17+$0x0] =	vst.idx.msk $0xffff, v3  }
0x25: {  	[tilespmem:v6+s17+$0x0] =	vst.idx.msk $0xffff, v5  }
0x26: {  	[tilespmem:s19], [sflag:$0x1] =	stream.indirect.gather [hbm4b:s3+s18], $0x40, s17, s18, $0xb8;
	[tilespmem:$0x1C800] =	vst v63  }
0x27: {  	s22 =	simm.s32 $0x6500  }
0x28: {  	[tilespmem:s21], [sflag:$0x2] =	stream.indirect.gather [hbm4b:s3+s18], $0x40, s22, s18, $0xb8;
	[tilespmem:$0x1C800] =	vst v63  }
0x29: {  	s1 =	simm.s32 $0x6600  }
0x2a: {  	[tilespmem:s23], [sflag:$0x3] =	stream.indirect.gather [hbm4b:s3+s18], $0x40, s1, s18, $0xb8;
	[tilespmem:$0x1C800] =	vst v63  }
0x2b: {  	_ = 	snop  }
0x2c: {  	[tilespmem:s25], [sflag:$0x4] =	stream.indirect.gather [hbm4b:s3+s18], $0x40, s24, s18, $0xb8;
	[tilespmem:$0x1C800] =	vst v63  }
0x2d: {  	_ =	swait.ge [sflag:s26], $0x4000  }
0x2e: {  	[sflag:s26] =	ssyncset.done $0x0  }
0x2f: {  	s16 =	sadd.s32 $0x0, s11;
	[sflag:s26] =	ssyncadd.s32 $0xFFFFC000  }
0x30: {  	[hbm4b:s16+s2] =	stream.linear.scatter [tilespmem:s19], [sflag:$0x5], $0x4000, $0x38;
	[tilespmem:$0x1C800] =	vst v63  }
0x31: {  	_ =	swait.ge [sflag:s15], $0x4000  }
0x32: {  	[sflag:s15] =	ssyncset.done $0x0  }
0x33: {  	s20 =	simm.s32 $0x6800;
	[sflag:s15] =	ssyncadd.s32 $0xFFFFC000  }
0x34: {  	[tilespmem:s19], [sflag:$0x1] =	stream.indirect.gather [hbm4b:s3+s18], $0x40, s20, s18, $0xb8;
	[tilespmem:$0x1C800] =	vst v63  }
0x35: {  	_ =	swait.ge [sflag:s28], $0x4000  }
0x36: {  	[sflag:s28] =	ssyncset.done $0x0  }
0x37: {  	s22 =	sadd.s32 $0x0, s14;
	[sflag:s28] =	ssyncadd.s32 $0xFFFFC000  }
0x38: {  	[hbm4b:s22+s2] =	stream.linear.scatter [tilespmem:s21], [sflag:$0x5], $0x4000, $0x38;
	[tilespmem:$0x1C800] =	vst v63  }
0x39: {  	_ =	swait.ge [sflag:s15], $0x4000  }
0x3a: {  	[sflag:s15] =	ssyncset.done $0x0  }
0x3b: {  	s1 =	simm.s32 $0x6900;
	[sflag:s15] =	ssyncadd.s32 $0xFFFFC000  }
0x3c: {  	[tilespmem:s21], [sflag:$0x2] =	stream.indirect.gather [hbm4b:s3+s18], $0x40, s1, s18, $0xb8;
	[tilespmem:$0x1C800] =	vst v63  }
0x3d: {  	_ =	swait.ge [sflag:s29], $0x4000  }
0x3e: {  	[sflag:s29] =	ssyncset.done $0x0  }
0x3f: {  	s16 =	sadd.s32 $0x0, s13;
	[sflag:s29] =	ssyncadd.s32 $0xFFFFC000  }
0x40: {  	[hbm4b:s16+s2] =	stream.linear.scatter [tilespmem:s23], [sflag:$0x5], $0x4000, $0x38;
	[tilespmem:$0x1C800] =	vst v63  }
0x41: {  	_ =	swait.ge [sflag:s15], $0x4000  }
0x42: {  	[sflag:s15] =	ssyncset.done $0x0  }
0x43: {  	s20 =	simm.s32 $0x6A00;
	[sflag:s15] =	ssyncadd.s32 $0xFFFFC000  }
0x44: {  	[tilespmem:s23], [sflag:$0x3] =	stream.indirect.gather [hbm4b:s3+s18], $0x40, s20, s18, $0xb8;
	[tilespmem:$0x1C800] =	vst v63  }
0x45: {  	_ =	swait.ge [sflag:s30], $0x4000  }
0x46: {  	[sflag:s30] =	ssyncset.done $0x0  }
0x47: {  	s22 =	sadd.s32 $0x0, s12;
	[sflag:s30] =	ssyncadd.s32 $0xFFFFC000  }
0x48: {  	[hbm4b:s22+s2] =	stream.linear.scatter [tilespmem:s25], [sflag:$0x5], $0x4000, $0x38;
	[tilespmem:$0x1C800] =	vst v63  }
0x49: {  	_ =	swait.ge [sflag:s15], $0x4000  }
0x4a: {  	s0 =	simm.s32 $0x6B00;
	[sflag:s15] =	ssyncset.done $0x0  }
0x4b: {  	s1 =	simm.s32 $0x2000;
	s16 =	simm.s32 $0x6F00;
	[sflag:s15] =	ssyncadd.s32 $0xFFFFC000  }
.LBB2_4:
0x4c: {  	[tilespmem:s25], [sflag:$0x4] =	stream.indirect.gather [hbm4b:s3+s18], $0x40, s0, s18, $0xb8;
	[tilespmem:$0x1C800] =	vst v63  }
0x4d: {  	s20 =	smov.u32 s1;
	s0 =	smov.u32 s16  }
0x4e: {  	p0 =	sne.s32 s1, $0x2E000;
	s1 =	sadd.s32 $0x2000, s1;
	_ =	swait.ge [sflag:s26], $0x4000  }
0x4f: {  	[sflag:s26] =	ssyncset.done $0x0  }
0x50: {  	s22 =	sadd.s32 s20, s11;
	[sflag:s26] =	ssyncadd.s32 $0xFFFFC000  }
0x51: {  	[hbm4b:s22+s2] =	stream.linear.scatter [tilespmem:s19], [sflag:$0x5], $0x4000, $0x38;
	[tilespmem:$0x1C800] =	vst v63  }
0x52: {  	_ =	swait.ge [sflag:s15], $0x4000  }
0x53: {  	[sflag:s15] =	ssyncset.done $0x0  }
0x54: {  	s22 =	sadd.s32 $0xFFFFFD00, s16;
	[sflag:s15] =	ssyncadd.s32 $0xFFFFC000  }
0x55: {  	[tilespmem:s19], [sflag:$0x1] =	stream.indirect.gather [hbm4b:s3+s18], $0x40, s22, s18, $0xb8;
	[tilespmem:$0x1C800] =	vst v63  }
0x56: {  	_ =	swait.ge [sflag:s28], $0x4000  }
0x57: {  	[sflag:s28] =	ssyncset.done $0x0  }
0x58: {  	s22 =	sadd.s32 s20, s14;
	[sflag:s28] =	ssyncadd.s32 $0xFFFFC000  }
0x59: {  	[hbm4b:s22+s2] =	stream.linear.scatter [tilespmem:s21], [sflag:$0x5], $0x4000, $0x38;
	[tilespmem:$0x1C800] =	vst v63  }
0x5a: {  	_ =	swait.ge [sflag:s15], $0x4000  }
0x5b: {  	[sflag:s15] =	ssyncset.done $0x0  }
0x5c: {  	s22 =	sadd.s32 $0xFFFFFE00, s16;
	[sflag:s15] =	ssyncadd.s32 $0xFFFFC000  }
0x5d: {  	[tilespmem:s21], [sflag:$0x2] =	stream.indirect.gather [hbm4b:s3+s18], $0x40, s22, s18, $0xb8;
	[tilespmem:$0x1C800] =	vst v63  }
0x5e: {  	_ =	swait.ge [sflag:s29], $0x4000  }
0x5f: {  	[sflag:s29] =	ssyncset.done $0x0  }
0x60: {  	s22 =	sadd.s32 s20, s13;
	[sflag:s29] =	ssyncadd.s32 $0xFFFFC000  }
0x61: {  	[hbm4b:s22+s2] =	stream.linear.scatter [tilespmem:s23], [sflag:$0x5], $0x4000, $0x38;
	[tilespmem:$0x1C800] =	vst v63  }
0x62: {  	_ =	swait.ge [sflag:s15], $0x4000  }
0x63: {  	[sflag:s15] =	ssyncset.done $0x0  }
0x64: {  	s22 =	sadd.s32 $0xFFFFFF00, s16;
	[sflag:s15] =	ssyncadd.s32 $0xFFFFC000  }
0x65: {  	[tilespmem:s23], [sflag:$0x3] =	stream.indirect.gather [hbm4b:s3+s18], $0x40, s22, s18, $0xb8;
	[tilespmem:$0x1C800] =	vst v63  }
0x66: {  	_ =	swait.ge [sflag:s30], $0x4000  }
0x67: {  	[sflag:s30] =	ssyncset.done $0x0  }
.Ltmp1:
0x68: {  	s20 =	sadd.s32 s20, s12;
	[sflag:s30] =	ssyncadd.s32 $0xFFFFC000;
	(pc) =	sbr.rel @p0 .LBB2_4-.Ltmp1, $4  }
0x69: {  	[hbm4b:s20+s2] =	stream.linear.scatter [tilespmem:s25], [sflag:$0x5], $0x4000, $0x38;
	[tilespmem:$0x1C800] =	vst v63  }
0x6a: {  	_ =	swait.ge [sflag:s15], $0x4000  }
0x6b: {  	[sflag:s15] =	ssyncset.done $0x0  }
0x6c: {  	s16 =	sadd.s32 $0x400, s16;
	[sflag:s15] =	ssyncadd.s32 $0xFFFFC000  }
0x6d: {  	[tilespmem:s25], [sflag:$0x4] =	stream.indirect.gather [hbm4b:s3+s18], $0x40, s0, s18, $0xb8;
	[tilespmem:$0x1C800] =	vst v63  }
0x6e: {  	_ =	swait.ge [sflag:s26], $0x4000  }
0x6f: {  	[sflag:s26] =	ssyncset.done $0x0  }
0x70: {  	[sflag:s26] =	ssyncadd.s32 $0xFFFFC000  }
0x71: {  	[hbm4b:s6+s2] =	stream.linear.scatter [tilespmem:s19], [sflag:$0x5], $0x4000, $0x38;
	[tilespmem:$0x1C800] =	vst v63  }
0x72: {  	_ =	swait.ge [sflag:s15], $0x4000  }
0x73: {  	[sflag:s15] =	ssyncset.done $0x0  }
0x74: {  	[sflag:s15] =	ssyncadd.s32 $0xFFFFC000  }
0x75: {  	_ =	swait.ge [sflag:s28], $0x4000  }
0x76: {  	[sflag:s28] =	ssyncset.done $0x0  }
0x77: {  	[sflag:s28] =	ssyncadd.s32 $0xFFFFC000  }
0x78: {  	[hbm4b:s7+s2] =	stream.linear.scatter [tilespmem:s21], [sflag:$0x5], $0x4000, $0x38;
	[tilespmem:$0x1C800] =	vst v63  }
0x79: {  	_ =	swait.ge [sflag:s15], $0x4000  }
0x7a: {  	[sflag:s15] =	ssyncset.done $0x0  }
0x7b: {  	[sflag:s15] =	ssyncadd.s32 $0xFFFFC000  }
0x7c: {  	_ =	swait.ge [sflag:s29], $0x4000  }
0x7d: {  	[sflag:s29] =	ssyncset.done $0x0  }
0x7e: {  	[sflag:s29] =	ssyncadd.s32 $0xFFFFC000  }
0x7f: {  	[hbm4b:s8+s2] =	stream.linear.scatter [tilespmem:s23], [sflag:$0x5], $0x4000, $0x38;
	[tilespmem:$0x1C800] =	vst v63  }
0x80: {  	_ =	swait.ge [sflag:s15], $0x4000  }
0x81: {  	[sflag:s15] =	ssyncset.done $0x0  }
0x82: {  	[sflag:s15] =	ssyncadd.s32 $0xFFFFC000  }
0x83: {  	s31 =	sadd.s32 $0x1, s31;
	_ =	swait.ge [sflag:s30], $0x4000  }
0x84: {  	p0 =	sne.s32 s31, s10;
	[sflag:s30] =	ssyncset.done $0x0  }
.Ltmp2:
0x85: {  	[sflag:s30] =	ssyncadd.s32 $0xFFFFC000;
	(pc) =	sbr.rel @p0 .LBB2_1-.Ltmp2, $4  }
0x86: {  	[hbm4b:s9+s2] =	stream.linear.scatter [tilespmem:s25], [sflag:$0x5], $0x4000, $0x38;
	[tilespmem:$0x1C800] =	vst v63  }
0x87: {  	_ =	swait.ge [sflag:s15], $0x4000  }
0x88: {  	[sflag:s15] =	ssyncset.done $0x0  }
0x89: {  	[sflag:s15] =	ssyncadd.s32 $0xFFFFC000  }
0x8a: {  	_ =	sfence.sel $0x180000  }
0x8b: {  	[bflag:$0x0] =	sbarrier.arrive $0xFFFF  }
0x8c: {  	_ =	strace $0x90000047  }
0x8d: {  	s0 =	stileid.u32;
	[bflag:$0x2] =	sbarrier.arrive $0xFFFF  }
0x8e: {  	p0 =	sne.s32 s0, $0x0;
	s0 =	rddreg [dreg:$0x2]  }
0x8f: {  	s0 =	sadd.s32 @!p0 $0x100000, s0  }
0x90: {  	[sflag:s0] =	ssyncadd.tile.s32 @!p0 $0x1;
	_ =	shalt  }
.Lfunc_end2:
_tile_overlayer_lowered:
.L_overlay_start_2:
0x91: {  	(tag) =	ssettag $0x2  }
0x92: {  	s0 =	rddreg [dreg:$0x0];
	s2 =	stileid.u32  }
0x93: {  	s1 =	rddreg [dreg:$0x1];
	p0 =	sne.s32 s2, $0x0  }
0x94: {  	s3 =	rddreg [dreg:$0x2];
	[bflag:$0x3] =	sbarrier.arrive $0xFFFF;
	s2 =	simm.s32 @!p0 $0x1C05  }
0x95: {  	[timem:s3], [sflag:s2] =	dma.local @!p0 [hbm:s0], s1  }
0x96: {  	s0 =	simm.s32 @!p0 $0x5  }
0x97: {  	_ =	swait.ge @!p0 [sflag:s0], s1  }
0x98: {  	s1 =	ssub.s32 @!p0 $0x0, s1;
	[sflag:s0] =	ssyncset.done @!p0 $0x0  }
0x99: {  	[sflag:s0] =	ssyncadd.s32 @!p0 s1  }
0x9a: {  	[bflag:$0x3] =	sbarrier.arrive $0xFFFF  }
0x9b: {  	_ =	shalt  }

</sc_bundles>
